<compile_context>
chip_gen: v7x
topology: tpu7x:2x2x1
jax: 0.10.2.dev20260603
libtpu: 0.0.44.dev20260713+nightly
codegen_flags: <defaults>
</compile_context>

<pallas_src>
import functools

import jax
import jax.numpy as jnp
from jax import lax
from jax.experimental import pallas as pl
from jax.experimental.pallas import tpu as pltpu
from jax.experimental.pallas import tpu_sc as plsc

N = 8192
D = 4
BIG = 128
HID = 16
K = 3
NG = 8

BR = 512
BRM = 4096
CC = 512
NBLK = N // BR
NCHUNK = N // CC
FP = 16

_INF = float("inf")
_BIGI = 1e9


def _bn_kernel(x_ref, g_ref, b_ref, o_ref, ot_ref):
    x = x_ref[...]
    m = jnp.mean(x, axis=0, keepdims=True)
    d = x - m
    v = jnp.mean(d * d, axis=0, keepdims=True)
    h = d / jnp.sqrt(v + 1e-5) * g_ref[...] + b_ref[...]
    hp = jnp.concatenate([h, jnp.zeros((N, FP - D), jnp.float32)], axis=1)
    o_ref[...] = hp
    for c in range(NCHUNK):
        ot_ref[c] = jnp.transpose(hp[c * CC:(c + 1) * CC, :])


def _bn(x, gamma, beta):
    return pl.pallas_call(
        _bn_kernel,
        out_shape=(jax.ShapeDtypeStruct((N, FP), jnp.float32),
                   jax.ShapeDtypeStruct((NCHUNK, FP, CC), jnp.float32)),
    )(x, gamma.reshape(1, D), beta.reshape(1, D))


def _knn_kernel(nf, bounds_ref, xr_ref, chunks_ref, bc_ref, br_ref, idx_ref):
    pid = pl.program_id(0)
    c0 = bounds_ref[2 * pid]
    c1 = bounds_ref[2 * pid + 1]
    x_r = xr_ref[...]
    xr_n = x_r[:, :nf]
    sq_r = jnp.sum(xr_n * xr_n, axis=1, keepdims=True)
    b_r = br_ref[...]

    colid0 = lax.broadcasted_iota(jnp.int32, (BR, CC), 1).astype(jnp.float32)

    def body(c, carry):
        v1, i1, v2, i2, v3, i3 = carry
        ch = chunks_ref[pl.ds(c, 1)][0]
        b_c = bc_ref[pl.ds(c, 1)][0]
        xy = lax.dot_general(x_r, ch, (((1,), (0,)), ((), ())),
                             precision=lax.Precision.DEFAULT)
        ch_n = ch[:nf, :]
        sq_c = jnp.sum(ch_n * ch_n, axis=0, keepdims=True)
        dist = (sq_r + sq_c) - 2.0 * xy
        dist = jnp.where(b_r != b_c, _INF, dist)
        colid = jnp.float32(c * CC) + colid0

        def extract(d):
            m = jnp.min(d, axis=1, keepdims=True)
            cid = jnp.min(jnp.where(d == m, colid, _BIGI), axis=1,
                          keepdims=True)
            d = jnp.where(colid == cid, _INF, d)
            return m, cid, d

        def insert(v, i, v1, i1, v2, i2, v3, i3):
            b1 = v < v1
            b2 = v < v2
            b3 = v < v3
            nv1 = jnp.where(b1, v, v1)
            ni1 = jnp.where(b1, i, i1)
            nv2 = jnp.where(b1, v1, jnp.where(b2, v, v2))
            ni2 = jnp.where(b1, i1, jnp.where(b2, i, i2))
            nv3 = jnp.where(b2, v2, jnp.where(b3, v, v3))
            ni3 = jnp.where(b2, i2, jnp.where(b3, i, i3))
            return nv1, ni1, nv2, ni2, nv3, ni3

        for _ in range(K):
            m, cid, dist = extract(dist)
            v1, i1, v2, i2, v3, i3 = insert(m, cid, v1, i1, v2, i2, v3, i3)
        return v1, i1, v2, i2, v3, i3

    init = (jnp.full((BR, 1), _INF, jnp.float32),
            jnp.full((BR, 1), _BIGI, jnp.float32),
            jnp.full((BR, 1), _INF, jnp.float32),
            jnp.full((BR, 1), _BIGI, jnp.float32),
            jnp.full((BR, 1), _INF, jnp.float32),
            jnp.full((BR, 1), _BIGI, jnp.float32))
    _, i1, _, i2, _, i3 = lax.fori_loop(c0, c1, body, init)
    idx = jnp.concatenate([i1, i2, i3], axis=1)
    idx = jnp.minimum(idx, jnp.float32(N - 1))
    idx_ref[...] = idx.astype(jnp.int32)


def _knn(h_pad, chunks, bchunks, brow, bounds, nf):
    return pl.pallas_call(
        functools.partial(_knn_kernel, nf),
        grid=(NBLK,),
        in_specs=[
            pl.BlockSpec(memory_space=pltpu.SMEM),
            pl.BlockSpec((BR, FP), lambda r: (r, 0)),
            pl.BlockSpec((NCHUNK, FP, CC), lambda r: (0, 0, 0)),
            pl.BlockSpec((NCHUNK, 1, CC), lambda r: (0, 0, 0)),
            pl.BlockSpec((BR, 1), lambda r: (r, 0)),
        ],
        out_specs=pl.BlockSpec((BR, K), lambda r: (r, 0)),
        out_shape=jax.ShapeDtypeStruct((N, K), jnp.int32),
    )(bounds, h_pad, chunks, bchunks, brow)


B_TOT = K * N
NW = 32
B_PER_W = B_TOT // NW


def _sc_gather_call(table, flat_idx):
    mesh = plsc.VectorSubcoreMesh(core_axis_name="c", subcore_axis_name="s")

    @functools.partial(
        pl.kernel, mesh=mesh,
        compiler_params=pltpu.CompilerParams(use_tc_tiling_on_sc=False),
        out_type=jax.ShapeDtypeStruct((B_TOT, FP), jnp.float32),
        scratch_types=[
            pltpu.VMEM((B_PER_W,), jnp.int32),
            pltpu.VMEM((B_PER_W, FP), jnp.float32),
            pltpu.SemaphoreType.DMA,
        ],
    )
    def gk(table_hbm, idx_hbm, out_hbm, idx_v, rows_v, sem):
        wid = lax.axis_index("s") * 2 + lax.axis_index("c")
        base = wid * B_PER_W
        pltpu.sync_copy(idx_hbm.at[pl.ds(base, B_PER_W)], idx_v)
        pltpu.async_copy(table_hbm.at[idx_v], rows_v, sem).wait()
        pltpu.sync_copy(rows_v, out_hbm.at[pl.ds(base, B_PER_W)])

    return gk(table, flat_idx)


def _gather(table, idx):
    flat = jnp.transpose(idx).reshape(B_TOT)
    rows = _sc_gather_call(table, flat)
    return rows.reshape(K, N, FP)


def _enc_kernel(xi_ref, xj_ref, w1_ref, b1_ref, w2_ref, b2_ref, w3_ref,
                b3_ref, o_ref, ot_ref):
    xi = xi_ref[:, :D]
    w1, b1 = w1_ref[...], b1_ref[...]
    w2, b2 = w2_ref[...], b2_ref[...]
    w3, b3 = w3_ref[...], b3_ref[...]
    acc = jnp.zeros((BRM, HID), jnp.float32)
    for j in range(K):
        xj = xj_ref[j][:, :D]
        cat = jnp.concatenate([xi, xj - xi], axis=1)
        t = jax.nn.relu(lax.dot_general(cat, w1, (((1,), (0,)), ((), ())),
                                        precision=lax.Precision.DEFAULT) + b1)
        t = jax.nn.relu(lax.dot_general(t, w2, (((1,), (0,)), ((), ())),
                                        precision=lax.Precision.DEFAULT) + b2)
        t = jax.nn.relu(lax.dot_general(t, w3, (((1,), (0,)), ((), ())),
                                        precision=lax.Precision.DEFAULT) + b3)
        acc = acc + t
    h = acc * jnp.float32(1.0 / K)
    o_ref[...] = h
    for s in range(BRM // CC):
        ot_ref[s] = jnp.transpose(h[s * CC:(s + 1) * CC, :])


def _enc(h_pad, xj, eW1, eb1, eW2, eb2, eW3, eb3):
    return pl.pallas_call(
        _enc_kernel,
        grid=(N // BRM,),
        in_specs=[
            pl.BlockSpec((BRM, FP), lambda r: (r, 0)),
            pl.BlockSpec((K, BRM, FP), lambda r: (0, r, 0)),
            pl.BlockSpec((2 * D, BIG), lambda r: (0, 0)),
            pl.BlockSpec((1, BIG), lambda r: (0, 0)),
            pl.BlockSpec((BIG, BIG), lambda r: (0, 0)),
            pl.BlockSpec((1, BIG), lambda r: (0, 0)),
            pl.BlockSpec((BIG, HID), lambda r: (0, 0)),
            pl.BlockSpec((1, HID), lambda r: (0, 0)),
        ],
        out_specs=(pl.BlockSpec((BRM, HID), lambda r: (r, 0)),
                   pl.BlockSpec((BRM // CC, FP, CC), lambda r: (r, 0, 0))),
        out_shape=(jax.ShapeDtypeStruct((N, HID), jnp.float32),
                   jax.ShapeDtypeStruct((NCHUNK, FP, CC), jnp.float32)),
    )(h_pad, xj, eW1, eb1.reshape(1, BIG), eW2, eb2.reshape(1, BIG),
      eW3, eb3.reshape(1, HID))


def _dec_kernel(xi_ref, xj_ref, w1_ref, b1_ref, w2_ref, b2_ref, w3_ref,
                b3_ref, o_ref):
    xi = xi_ref[...]
    w1, b1 = w1_ref[...], b1_ref[...]
    w2, b2 = w2_ref[...], b2_ref[...]
    w3, b3 = w3_ref[...], b3_ref[...]
    acc = jnp.zeros((BRM, BIG), jnp.float32)
    for j in range(K):
        xj = xj_ref[j]
        cat = jnp.concatenate([xi, xj - xi], axis=1)
        t = jax.nn.relu(lax.dot_general(cat, w1, (((1,), (0,)), ((), ())),
                                        precision=lax.Precision.DEFAULT) + b1)
        t = jax.nn.relu(lax.dot_general(t, w2, (((1,), (0,)), ((), ())),
                                        precision=lax.Precision.DEFAULT) + b2)
        acc = acc + t
    o_ref[...] = lax.dot_general(acc * jnp.float32(1.0 / K), w3,
                                 (((1,), (0,)), ((), ())),
                                 precision=lax.Precision.DEFAULT) + b3


def _dec(h1, xj, dW1, db1, dW2, db2, dW3, db3):
    return pl.pallas_call(
        _dec_kernel,
        grid=(N // BRM,),
        in_specs=[
            pl.BlockSpec((BRM, HID), lambda r: (r, 0)),
            pl.BlockSpec((K, BRM, HID), lambda r: (0, r, 0)),
            pl.BlockSpec((2 * HID, BIG), lambda r: (0, 0)),
            pl.BlockSpec((1, BIG), lambda r: (0, 0)),
            pl.BlockSpec((BIG, BIG), lambda r: (0, 0)),
            pl.BlockSpec((1, BIG), lambda r: (0, 0)),
            pl.BlockSpec((BIG, D), lambda r: (0, 0)),
            pl.BlockSpec((1, D), lambda r: (0, 0)),
        ],
        out_specs=pl.BlockSpec((BRM, D), lambda r: (r, 0)),
        out_shape=jax.ShapeDtypeStruct((N, D), jnp.float32),
    )(h1, xj, dW1, db1.reshape(1, BIG), dW2, db2.reshape(1, BIG),
      dW3, db3.reshape(1, D))


def _bounds(batch):
    g = jnp.arange(NG, dtype=jnp.int32)
    starts = jnp.searchsorted(batch, g, side="left").astype(jnp.int32)
    ends = jnp.searchsorted(batch, g, side="right").astype(jnp.int32)
    b2 = batch.reshape(NBLK, BR)
    lo = starts[b2[:, 0]]
    hi = ends[b2[:, -1]]
    c0 = lo // CC
    c1 = (hi + CC - 1) // CC
    return jnp.stack([c0, c1], axis=1).reshape(2 * NBLK).astype(jnp.int32)


def kernel(x, batch, bn_gamma, bn_beta, eW1, eb1, eW2, eb2, eW3, eb3,
           dW1, db1, dW2, db2, dW3, db3):
    bounds = _bounds(batch)
    bchunks = batch.reshape(NCHUNK, 1, CC)
    brow = batch.reshape(N, 1)

    h0, ch0 = _bn(x, bn_gamma, bn_beta)
    idx1 = _knn(h0, ch0, bchunks, brow, bounds, D)
    xj1 = _gather(h0, idx1)
    h1, ch1 = _enc(h0, xj1, eW1, eb1, eW2, eb2, eW3, eb3)
    idx2 = _knn(h1, ch1, bchunks, brow, bounds, HID)
    xj2 = _gather(h1, idx2)
    out = _dec(h1, xj2, dW1, db1, dW2, db2, dW3, db3)
    return out

# --- scband reference (transcript-rebuilt; emitter-appended) ---
"""Pipeline reference for scband-edge-net-dynamic-7456063226154 (READ-ONLY COPY).

The authoritative reference and input builder live on the scoring server;
editing this copy changes nothing except your own understanding.
"""

import jax, jax.numpy as jnp
import numpy as np

N = 8192
D = 4
BIG = 128
HID = 16
K = 3
NG = 8


def _lin(key, fi, fo):
    k1, k2 = jax.random.split(key)
    bound = 1.0 / np.sqrt(fi)
    W = jax.random.uniform(k1, (fi, fo), minval=-bound, maxval=bound, dtype=jnp.float32)
    b = jax.random.uniform(k2, (fo,), minval=-bound, maxval=bound, dtype=jnp.float32)
    return W, b


def setup_inputs(seed: int = 0) -> dict:
    key = jax.random.key(seed)
    ks = jax.random.split(key, 10)
    x = jax.random.normal(ks[0], (N, D), dtype=jnp.float32)
    batch = jnp.sort(jax.random.randint(ks[1], (N,), 0, NG, dtype=jnp.int32))
    eW1, eb1 = _lin(ks[2], 2 * D, BIG)
    eW2, eb2 = _lin(ks[3], BIG, BIG)
    eW3, eb3 = _lin(ks[4], BIG, HID)
    dW1, db1 = _lin(ks[5], 2 * HID, BIG)
    dW2, db2 = _lin(ks[6], BIG, BIG)
    dW3, db3 = _lin(ks[7], BIG, D)
    bn_gamma = jnp.ones((D,), dtype=jnp.float32)
    bn_beta = jnp.zeros((D,), dtype=jnp.float32)
    return {"x": x, "batch": batch, "bn_gamma": bn_gamma, "bn_beta": bn_beta,
            "eW1": eW1, "eb1": eb1, "eW2": eW2, "eb2": eb2, "eW3": eW3, "eb3": eb3,
            "dW1": dW1, "db1": db1, "dW2": dW2, "db2": db2, "dW3": dW3, "db3": db3}


def _knn_idx(x, batch, k):
    # brute-force kNN within each graph (same batch id); includes self like torch_cluster.knn
    sq = jnp.sum(x * x, axis=1)
    dist = sq[:, None] + sq[None, :] - 2.0 * (x @ x.T)
    mask = batch[:, None] != batch[None, :]
    dist = jnp.where(mask, jnp.inf, dist)
    _, idx = jax.lax.top_k(-dist, k)  # [N, k] nearest neighbor indices per node
    return idx


def _edge_conv(x, batch, mlp, k):
    idx = _knn_idx(x, batch, k)
    xj = x[idx]                                   # [N, k, d] gather neighbors
    xi = jnp.broadcast_to(x[:, None, :], xj.shape)
    msg = mlp(jnp.concatenate([xi, xj - xi], axis=-1))
    return jnp.mean(msg, axis=1)                  # aggr='mean' over exactly k neighbors


def reference(x, batch, bn_gamma, bn_beta, eW1, eb1, eW2, eb2, eW3, eb3, dW1, db1, dW2, db2, dW3, db3):
    # BatchNorm1d in training mode (biased batch statistics)
    mean = jnp.mean(x, axis=0)
    var = jnp.var(x, axis=0)
    h = (x - mean) / jnp.sqrt(var + 1e-5) * bn_gamma + bn_beta

    def enc(t):
        t = jax.nn.relu(t @ eW1 + eb1)
        t = jax.nn.relu(t @ eW2 + eb2)
        t = jax.nn.relu(t @ eW3 + eb3)
        return t

    def dec(t):
        t = jax.nn.relu(t @ dW1 + db1)
        t = jax.nn.relu(t @ dW2 + db2)
        t = t @ dW3 + db3
        return t

    h = _edge_conv(h, batch, enc, K)
    h = _edge_conv(h, batch, dec, K)
    return h

if __name__ == "__main__":
    import jax
    _d = setup_inputs()
    print(jax.jit(kernel)(*tuple(_d.values())))

</pallas_src>

<mosaic_0001>
#map = affine_map<(d0, d1) -> (0, 0)>
#map1 = affine_map<(d0, d1) -> (0)>
module attributes {stable_mosaic.version = 14 : i64} {
  func.func @gk(%arg0: i32, %arg1: i32, %arg2: memref<8192x16xf32, #tpu.memory_space<hbm>>, %arg3: memref<24576xi32, #tpu.memory_space<hbm>>, %arg4: memref<24576x16xf32, #tpu.memory_space<hbm>>, %arg5: memref<768xi32, #tpu.memory_space<vmem>>, %arg6: memref<768x16xf32, #tpu.memory_space<vmem>>, %arg7: memref<!tpu.dma_semaphore, #tpu.memory_space<semaphore_mem>>) attributes {dimension_semantics = [#tpu.dimension_semantics<core_parallel>, #tpu.dimension_semantics<subcore_parallel>], iteration_bounds = array<i64: 2, 16>, scalar_prefetch = 0 : i64, scratch_operands = 3 : i64, tpu.core_type = #tpu.core_type<sc_vector_subcore>, window_params = [{transform_indices = #map}, {transform_indices = #map1}, {transform_indices = #map}]} {
    %mul3A = arith.constant 2 : i32
    %mul3A_0 = arith.muli %arg1, %mul3A : i32
    %add3A = arith.addi %mul3A_0, %arg0 : i32
    %mul3A_1 = arith.constant 768 : i32
    %mul3A_2 = arith.muli %add3A, %mul3A_1 : i32
    "tpu.region"() ({
      %run_scoped3A = tpu.sem_alloc : memref<!tpu.dma_semaphore, #tpu.memory_space<semaphore_mem>>
      %dma_start3A_7 = tpu.memref_slice %arg3[%mul3A_2] : memref<24576xi32, #tpu.memory_space<hbm>> -> memref<768xi32, #tpu.memory_space<hbm>>
      %dma_start3A_8 = tpu.memref_slice %arg3[%mul3A_2] : memref<24576xi32, #tpu.memory_space<hbm>> -> memref<768xi32, #tpu.memory_space<hbm>>
      tpu.enqueue_dma source(%dma_start3A_8 : memref<768xi32, #tpu.memory_space<hbm>>) target(%arg5 : memref<768xi32, #tpu.memory_space<vmem>>) target_semaphore(%run_scoped3A : memref<!tpu.dma_semaphore, #tpu.memory_space<semaphore_mem>>)
      %dma_wait3A_9 = tpu.memref_slice %arg3[%mul3A_2] : memref<24576xi32, #tpu.memory_space<hbm>> -> memref<768xi32, #tpu.memory_space<hbm>>
      %dma_wait3A_10 = tpu.memref_slice %arg3[%mul3A_2] : memref<24576xi32, #tpu.memory_space<hbm>> -> memref<768xi32, #tpu.memory_space<hbm>>
      tpu.wait_dma2 semaphore(%run_scoped3A : memref<!tpu.dma_semaphore, #tpu.memory_space<semaphore_mem>>) src(%dma_wait3A_10 : memref<768xi32, #tpu.memory_space<hbm>>) dst(%arg5 : memref<768xi32, #tpu.memory_space<vmem>>)
      tpu.yield
    }) : () -> ()
    %dma_start3A = arith.constant 0 : i32
    %dma_start3A_3 = arith.constant 0 : i32
    %dma_start3A_4 = tpu.memref_slice %arg2[%dma_start3A, %dma_start3A_3] : memref<8192x16xf32, #tpu.memory_space<hbm>> -> memref<8192x16xf32, #tpu.memory_space<hbm>>
    tpu.enqueue_indirect_dma source(%dma_start3A_4 : memref<8192x16xf32, #tpu.memory_space<hbm>>) target(%arg6 : memref<768x16xf32, #tpu.memory_space<vmem>>) offsets(%arg5 : memref<768xi32, #tpu.memory_space<vmem>>) semaphore(%arg7 : memref<!tpu.dma_semaphore, #tpu.memory_space<semaphore_mem>>)
    %dma_wait3A = arith.constant 0 : i32
    %dma_wait3A_5 = arith.constant 0 : i32
    %dma_wait3A_6 = tpu.memref_slice %arg2[%dma_wait3A, %dma_wait3A_5] : memref<8192x16xf32, #tpu.memory_space<hbm>> -> memref<8192x16xf32, #tpu.memory_space<hbm>>
    tpu.wait_indirect_dma semaphore(%arg7 : memref<!tpu.dma_semaphore, #tpu.memory_space<semaphore_mem>>) src(%dma_wait3A_6 : memref<8192x16xf32, #tpu.memory_space<hbm>>) dst(%arg6 : memref<768x16xf32, #tpu.memory_space<vmem>>)
    "tpu.region"() ({
      %run_scoped3A = tpu.sem_alloc : memref<!tpu.dma_semaphore, #tpu.memory_space<semaphore_mem>>
      %dma_start3A_7 = arith.constant 0 : i32
      %dma_start3A_8 = tpu.memref_slice %arg4[%mul3A_2, %dma_start3A_7] : memref<24576x16xf32, #tpu.memory_space<hbm>> -> memref<768x16xf32, #tpu.memory_space<hbm>>
      %dma_start3A_9 = arith.constant 0 : i32
      %dma_start3A_10 = tpu.memref_slice %arg4[%mul3A_2, %dma_start3A_9] : memref<24576x16xf32, #tpu.memory_space<hbm>> -> memref<768x16xf32, #tpu.memory_space<hbm>>
      tpu.enqueue_dma source(%arg6 : memref<768x16xf32, #tpu.memory_space<vmem>>) target(%dma_start3A_10 : memref<768x16xf32, #tpu.memory_space<hbm>>) target_semaphore(%run_scoped3A : memref<!tpu.dma_semaphore, #tpu.memory_space<semaphore_mem>>)
      %dma_wait3A_11 = arith.constant 0 : i32
      %dma_wait3A_12 = tpu.memref_slice %arg4[%mul3A_2, %dma_wait3A_11] : memref<24576x16xf32, #tpu.memory_space<hbm>> -> memref<768x16xf32, #tpu.memory_space<hbm>>
      %dma_wait3A_13 = arith.constant 0 : i32
      %dma_wait3A_14 = tpu.memref_slice %arg4[%mul3A_2, %dma_wait3A_13] : memref<24576x16xf32, #tpu.memory_space<hbm>> -> memref<768x16xf32, #tpu.memory_space<hbm>>
      tpu.wait_dma2 semaphore(%run_scoped3A : memref<!tpu.dma_semaphore, #tpu.memory_space<semaphore_mem>>) src(%arg6 : memref<768x16xf32, #tpu.memory_space<vmem>>) dst(%dma_wait3A_14 : memref<768x16xf32, #tpu.memory_space<hbm>>)
      tpu.yield
    }) : () -> ()
    return
  }
}

#map = affine_map<(d0, d1) -> (0, 0)>
#map1 = affine_map<(d0, d1) -> (0)>
module attributes {stable_mosaic.version = 14 : i64} {
  func.func @gk(%arg0: i32, %arg1: i32, %arg2: memref<8192x16xf32, #tpu.memory_space<hbm>>, %arg3: memref<24576xi32, #tpu.memory_space<hbm>>, %arg4: memref<24576x16xf32, #tpu.memory_space<hbm>>, %arg5: memref<768xi32, #tpu.memory_space<vmem>>, %arg6: memref<768x16xf32, #tpu.memory_space<vmem>>, %arg7: memref<!tpu.dma_semaphore, #tpu.memory_space<semaphore_mem>>) attributes {dimension_semantics = [#tpu.dimension_semantics<core_parallel>, #tpu.dimension_semantics<subcore_parallel>], iteration_bounds = array<i64: 2, 16>, scalar_prefetch = 0 : i64, scratch_operands = 3 : i64, tpu.core_type = #tpu.core_type<sc_vector_subcore>, window_params = [{transform_indices = #map}, {transform_indices = #map1}, {transform_indices = #map}]} {
    %mul3A = arith.constant 2 : i32
    %mul3A_0 = arith.muli %arg1, %mul3A : i32
    %add3A = arith.addi %mul3A_0, %arg0 : i32
    %mul3A_1 = arith.constant 768 : i32
    %mul3A_2 = arith.muli %add3A, %mul3A_1 : i32
    "tpu.region"() ({
      %run_scoped3A = tpu.sem_alloc : memref<!tpu.dma_semaphore, #tpu.memory_space<semaphore_mem>>
      %dma_start3A_7 = tpu.memref_slice %arg3[%mul3A_2] : memref<24576xi32, #tpu.memory_space<hbm>> -> memref<768xi32, #tpu.memory_space<hbm>>
      %dma_start3A_8 = tpu.memref_slice %arg3[%mul3A_2] : memref<24576xi32, #tpu.memory_space<hbm>> -> memref<768xi32, #tpu.memory_space<hbm>>
      tpu.enqueue_dma source(%dma_start3A_8 : memref<768xi32, #tpu.memory_space<hbm>>) target(%arg5 : memref<768xi32, #tpu.memory_space<vmem>>) target_semaphore(%run_scoped3A : memref<!tpu.dma_semaphore, #tpu.memory_space<semaphore_mem>>)
      %dma_wait3A_9 = tpu.memref_slice %arg3[%mul3A_2] : memref<24576xi32, #tpu.memory_space<hbm>> -> memref<768xi32, #tpu.memory_space<hbm>>
      %dma_wait3A_10 = tpu.memref_slice %arg3[%mul3A_2] : memref<24576xi32, #tpu.memory_space<hbm>> -> memref<768xi32, #tpu.memory_space<hbm>>
      tpu.wait_dma2 semaphore(%run_scoped3A : memref<!tpu.dma_semaphore, #tpu.memory_space<semaphore_mem>>) src(%dma_wait3A_10 : memref<768xi32, #tpu.memory_space<hbm>>) dst(%arg5 : memref<768xi32, #tpu.memory_space<vmem>>)
      tpu.yield
    }) : () -> ()
    %dma_start3A = arith.constant 0 : i32
    %dma_start3A_3 = arith.constant 0 : i32
    %dma_start3A_4 = tpu.memref_slice %arg2[%dma_start3A, %dma_start3A_3] : memref<8192x16xf32, #tpu.memory_space<hbm>> -> memref<8192x16xf32, #tpu.memory_space<hbm>>
    tpu.enqueue_indirect_dma source(%dma_start3A_4 : memref<8192x16xf32, #tpu.memory_space<hbm>>) target(%arg6 : memref<768x16xf32, #tpu.memory_space<vmem>>) offsets(%arg5 : memref<768xi32, #tpu.memory_space<vmem>>) semaphore(%arg7 : memref<!tpu.dma_semaphore, #tpu.memory_space<semaphore_mem>>)
    %dma_wait3A = arith.constant 0 : i32
    %dma_wait3A_5 = arith.constant 0 : i32
    %dma_wait3A_6 = tpu.memref_slice %arg2[%dma_wait3A, %dma_wait3A_5] : memref<8192x16xf32, #tpu.memory_space<hbm>> -> memref<8192x16xf32, #tpu.memory_space<hbm>>
    tpu.wait_indirect_dma semaphore(%arg7 : memref<!tpu.dma_semaphore, #tpu.memory_space<semaphore_mem>>) src(%dma_wait3A_6 : memref<8192x16xf32, #tpu.memory_space<hbm>>) dst(%arg6 : memref<768x16xf32, #tpu.memory_space<vmem>>)
    "tpu.region"() ({
      %run_scoped3A = tpu.sem_alloc : memref<!tpu.dma_semaphore, #tpu.memory_space<semaphore_mem>>
      %dma_start3A_7 = arith.constant 0 : i32
      %dma_start3A_8 = tpu.memref_slice %arg4[%mul3A_2, %dma_start3A_7] : memref<24576x16xf32, #tpu.memory_space<hbm>> -> memref<768x16xf32, #tpu.memory_space<hbm>>
      %dma_start3A_9 = arith.constant 0 : i32
      %dma_start3A_10 = tpu.memref_slice %arg4[%mul3A_2, %dma_start3A_9] : memref<24576x16xf32, #tpu.memory_space<hbm>> -> memref<768x16xf32, #tpu.memory_space<hbm>>
      tpu.enqueue_dma source(%arg6 : memref<768x16xf32, #tpu.memory_space<vmem>>) target(%dma_start3A_10 : memref<768x16xf32, #tpu.memory_space<hbm>>) target_semaphore(%run_scoped3A : memref<!tpu.dma_semaphore, #tpu.memory_space<semaphore_mem>>)
      %dma_wait3A_11 = arith.constant 0 : i32
      %dma_wait3A_12 = tpu.memref_slice %arg4[%mul3A_2, %dma_wait3A_11] : memref<24576x16xf32, #tpu.memory_space<hbm>> -> memref<768x16xf32, #tpu.memory_space<hbm>>
      %dma_wait3A_13 = arith.constant 0 : i32
      %dma_wait3A_14 = tpu.memref_slice %arg4[%mul3A_2, %dma_wait3A_13] : memref<24576x16xf32, #tpu.memory_space<hbm>> -> memref<768x16xf32, #tpu.memory_space<hbm>>
      tpu.wait_dma2 semaphore(%run_scoped3A : memref<!tpu.dma_semaphore, #tpu.memory_space<semaphore_mem>>) src(%arg6 : memref<768x16xf32, #tpu.memory_space<vmem>>) dst(%dma_wait3A_14 : memref<768x16xf32, #tpu.memory_space<hbm>>)
      tpu.yield
    }) : () -> ()
    return
  }
}

module attributes {stable_mosaic.version = 14 : i64} {
  func.func @_bn_kernel(%arg0: memref<8192x4xf32, #tpu.memory_space<vmem>>, %arg1: memref<1x4xf32, #tpu.memory_space<vmem>>, %arg2: memref<1x4xf32, #tpu.memory_space<vmem>>, %arg3: memref<8192x16xf32, #tpu.memory_space<vmem>>, %arg4: memref<16x16x512xf32, #tpu.memory_space<vmem>>) attributes {dimension_semantics = [], scalar_prefetch = 0 : i64, scratch_operands = 0 : i64, tpu.core_type = #tpu.core_type<tc>} {
    %get3A = arith.constant 0 : index
    %get3A_0 = arith.constant 0 : index
    %get3A_1 = vector.load %arg0[%get3A, %get3A_0] : memref<8192x4xf32, #tpu.memory_space<vmem>>, vector<8192x4xf32>
    %reduce_sum3A = arith.constant dense<0.000000e+00> : vector<4xf32>
    %reduce_sum3A_2 = vector.multi_reduction <add>, %get3A_1, %reduce_sum3A [0] : vector<8192x4xf32> to vector<4xf32>
    %broadcast_in_dim3A = vector.shape_cast %reduce_sum3A_2 : vector<4xf32> to vector<1x4xf32>
    %div3A = arith.constant 8.192000e+03 : f32
    %div3A_3 = vector.broadcast %div3A : f32 to vector<1x4xf32>
    %div3A_4 = arith.divf %broadcast_in_dim3A, %div3A_3 : vector<1x4xf32>
    %sub3A = vector.broadcast %div3A_4 : vector<1x4xf32> to vector<8192x4xf32>
    %sub3A_5 = arith.subf %get3A_1, %sub3A : vector<8192x4xf32>
    %mul3A = arith.mulf %sub3A_5, %sub3A_5 : vector<8192x4xf32>
    %reduce_sum3A_6 = arith.constant dense<0.000000e+00> : vector<4xf32>
    %reduce_sum3A_7 = vector.multi_reduction <add>, %mul3A, %reduce_sum3A_6 [0] : vector<8192x4xf32> to vector<4xf32>
    %broadcast_in_dim3A_8 = vector.shape_cast %reduce_sum3A_7 : vector<4xf32> to vector<1x4xf32>
    %div3A_9 = arith.constant 8.192000e+03 : f32
    %div3A_10 = vector.broadcast %div3A_9 : f32 to vector<1x4xf32>
    %div3A_11 = arith.divf %broadcast_in_dim3A_8, %div3A_10 : vector<1x4xf32>
    %add3A = arith.constant 9.99999974E-6 : f32
    %add3A_12 = vector.broadcast %add3A : f32 to vector<1x4xf32>
    %add3A_13 = arith.addf %div3A_11, %add3A_12 : vector<1x4xf32>
    %sqrt3A = math.sqrt %add3A_13 : vector<1x4xf32>
    %div3A_14 = vector.broadcast %sqrt3A : vector<1x4xf32> to vector<8192x4xf32>
    %div3A_15 = arith.divf %sub3A_5, %div3A_14 : vector<8192x4xf32>
    %get3A_16 = arith.constant 0 : index
    %get3A_17 = arith.constant 0 : index
    %get3A_18 = vector.load %arg1[%get3A_16, %get3A_17] : memref<1x4xf32, #tpu.memory_space<vmem>>, vector<1x4xf32>
    %mul3A_19 = vector.broadcast %get3A_18 : vector<1x4xf32> to vector<8192x4xf32>
    %mul3A_20 = arith.mulf %div3A_15, %mul3A_19 : vector<8192x4xf32>
    %get3A_21 = arith.constant 0 : index
    %get3A_22 = arith.constant 0 : index
    %get3A_23 = vector.load %arg2[%get3A_21, %get3A_22] : memref<1x4xf32, #tpu.memory_space<vmem>>, vector<1x4xf32>
    %add3A_24 = vector.broadcast %get3A_23 : vector<1x4xf32> to vector<8192x4xf32>
    %add3A_25 = arith.addf %mul3A_20, %add3A_24 : vector<8192x4xf32>
    %broadcast_in_dim3A_26 = arith.constant 0.000000e+00 : f32
    %broadcast_in_dim3A_27 = vector.broadcast %broadcast_in_dim3A_26 : f32 to vector<8192x12xf32>
    %concatenate3A = tpu.concatenate %add3A_25, %broadcast_in_dim3A_27 in 1 : vector<8192x4xf32>, vector<8192x12xf32> -> vector<8192x16xf32>
    %swap3A = arith.constant 0 : index
    %swap3A_28 = arith.constant 0 : index
    %swap3A_29 = vector.load %arg3[%swap3A, %swap3A_28] : memref<8192x16xf32, #tpu.memory_space<vmem>>, vector<8192x16xf32>
    tpu.vector_store %arg3[%swap3A, %swap3A_28], %concatenate3A {strides = array<i32>} : memref<8192x16xf32, #tpu.memory_space<vmem>>, vector<8192x16xf32>,
    %slice3A = vector.extract_strided_slice %concatenate3A {offsets = [0, 0], sizes = [512, 16], strides = [1, 1]} : vector<8192x16xf32> to vector<512x16xf32>
    %transpose3A = tpu.transpose %slice3A, [1, 0] : vector<512x16xf32> -> vector<16x512xf32>
    %swap3A_30 = arith.constant 0 : index
    %swap3A_31 = arith.constant 0 : index
    %swap3A_32 = arith.constant 0 : index
    %swap3A_33 = vector.load %arg4[%swap3A_30, %swap3A_31, %swap3A_32] : memref<16x16x512xf32, #tpu.memory_space<vmem>>, vector<1x16x512xf32>
    %swap3A_34 = vector.shape_cast %swap3A_33 : vector<1x16x512xf32> to vector<16x512xf32>
    %swap3A_35 = vector.shape_cast %transpose3A : vector<16x512xf32> to vector<1x16x512xf32>
    tpu.vector_store %arg4[%swap3A_30, %swap3A_31, %swap3A_32], %swap3A_35 {strides = array<i32>} : memref<16x16x512xf32, #tpu.memory_space<vmem>>, vector<1x16x512xf32>,
    %slice3A_36 = vector.extract_strided_slice %concatenate3A {offsets = [512, 0], sizes = [512, 16], strides = [1, 1]} : vector<8192x16xf32> to vector<512x16xf32>
    %transpose3A_37 = tpu.transpose %slice3A_36, [1, 0] : vector<512x16xf32> -> vector<16x512xf32>
    %swap3A_38 = arith.constant 1 : index
    %swap3A_39 = arith.constant 0 : index
    %swap3A_40 = arith.constant 0 : index
    %swap3A_41 = vector.load %arg4[%swap3A_38, %swap3A_39, %swap3A_40] : memref<16x16x512xf32, #tpu.memory_space<vmem>>, vector<1x16x512xf32>
    %swap3A_42 = vector.shape_cast %swap3A_41 : vector<1x16x512xf32> to vector<16x512xf32>
    %swap3A_43 = vector.shape_cast %transpose3A_37 : vector<16x512xf32> to vector<1x16x512xf32>
    tpu.vector_store %arg4[%swap3A_38, %swap3A_39, %swap3A_40], %swap3A_43 {strides = array<i32>} : memref<16x16x512xf32, #tpu.memory_space<vmem>>, vector<1x16x512xf32>,
    %slice3A_44 = vector.extract_strided_slice %concatenate3A {offsets = [1024, 0], sizes = [512, 16], strides = [1, 1]} : vector<8192x16xf32> to vector<512x16xf32>
    %transpose3A_45 = tpu.transpose %slice3A_44, [1, 0] : vector<512x16xf32> -> vector<16x512xf32>
    %swap3A_46 = arith.constant 2 : index
    %swap3A_47 = arith.constant 0 : index
    %swap3A_48 = arith.constant 0 : index
    %swap3A_49 = vector.load %arg4[%swap3A_46, %swap3A_47, %swap3A_48] : memref<16x16x512xf32, #tpu.memory_space<vmem>>, vector<1x16x512xf32>
    %swap3A_50 = vector.shape_cast %swap3A_49 : vector<1x16x512xf32> to vector<16x512xf32>
    %swap3A_51 = vector.shape_cast %transpose3A_45 : vector<16x512xf32> to vector<1x16x512xf32>
    tpu.vector_store %arg4[%swap3A_46, %swap3A_47, %swap3A_48], %swap3A_51 {strides = array<i32>} : memref<16x16x512xf32, #tpu.memory_space<vmem>>, vector<1x16x512xf32>,
    %slice3A_52 = vector.extract_strided_slice %concatenate3A {offsets = [1536, 0], sizes = [512, 16], strides = [1, 1]} : vector<8192x16xf32> to vector<512x16xf32>
    %transpose3A_53 = tpu.transpose %slice3A_52, [1, 0] : vector<512x16xf32> -> vector<16x512xf32>
    %swap3A_54 = arith.constant 3 : index
    %swap3A_55 = arith.constant 0 : index
    %swap3A_56 = arith.constant 0 : index
    %swap3A_57 = vector.load %arg4[%swap3A_54, %swap3A_55, %swap3A_56] : memref<16x16x512xf32, #tpu.memory_space<vmem>>, vector<1x16x512xf32>
    %swap3A_58 = vector.shape_cast %swap3A_57 : vector<1x16x512xf32> to vector<16x512xf32>
    %swap3A_59 = vector.shape_cast %transpose3A_53 : vector<16x512xf32> to vector<1x16x512xf32>
    tpu.vector_store %arg4[%swap3A_54, %swap3A_55, %swap3A_56], %swap3A_59 {strides = array<i32>} : memref<16x16x512xf32, #tpu.memory_space<vmem>>, vector<1x16x512xf32>,
    %slice3A_60 = vector.extract_strided_slice %concatenate3A {offsets = [2048, 0], sizes = [512, 16], strides = [1, 1]} : vector<8192x16xf32> to vector<512x16xf32>
    %transpose3A_61 = tpu.transpose %slice3A_60, [1, 0] : vector<512x16xf32> -> vector<16x512xf32>
    %swap3A_62 = arith.constant 4 : index
    %swap3A_63 = arith.constant 0 : index
    %swap3A_64 = arith.constant 0 : index
    %swap3A_65 = vector.load %arg4[%swap3A_62, %swap3A_63, %swap3A_64] : memref<16x16x512xf32, #tpu.memory_space<vmem>>, vector<1x16x512xf32>
    %swap3A_66 = vector.shape_cast %swap3A_65 : vector<1x16x512xf32> to vector<16x512xf32>
    %swap3A_67 = vector.shape_cast %transpose3A_61 : vector<16x512xf32> to vector<1x16x512xf32>
    tpu.vector_store %arg4[%swap3A_62, %swap3A_63, %swap3A_64], %swap3A_67 {strides = array<i32>} : memref<16x16x512xf32, #tpu.memory_space<vmem>>, vector<1x16x512xf32>,
    %slice3A_68 = vector.extract_strided_slice %concatenate3A {offsets = [2560, 0], sizes = [512, 16], strides = [1, 1]} : vector<8192x16xf32> to vector<512x16xf32>
    %transpose3A_69 = tpu.transpose %slice3A_68, [1, 0] : vector<512x16xf32> -> vector<16x512xf32>
    %swap3A_70 = arith.constant 5 : index
    %swap3A_71 = arith.constant 0 : index
    %swap3A_72 = arith.constant 0 : index
    %swap3A_73 = vector.load %arg4[%swap3A_70, %swap3A_71, %swap3A_72] : memref<16x16x512xf32, #tpu.memory_space<vmem>>, vector<1x16x512xf32>
    %swap3A_74 = vector.shape_cast %swap3A_73 : vector<1x16x512xf32> to vector<16x512xf32>
    %swap3A_75 = vector.shape_cast %transpose3A_69 : vector<16x512xf32> to vector<1x16x512xf32>
    tpu.vector_store %arg4[%swap3A_70, %swap3A_71, %swap3A_72], %swap3A_75 {strides = array<i32>} : memref<16x16x512xf32, #tpu.memory_space<vmem>>, vector<1x16x512xf32>,
    %slice3A_76 = vector.extract_strided_slice %concatenate3A {offsets = [3072, 0], sizes = [512, 16], strides = [1, 1]} : vector<8192x16xf32> to vector<512x16xf32>
    %transpose3A_77 = tpu.transpose %slice3A_76, [1, 0] : vector<512x16xf32> -> vector<16x512xf32>
    %swap3A_78 = arith.constant 6 : index
    %swap3A_79 = arith.constant 0 : index
    %swap3A_80 = arith.constant 0 : index
    %swap3A_81 = vector.load %arg4[%swap3A_78, %swap3A_79, %swap3A_80] : memref<16x16x512xf32, #tpu.memory_space<vmem>>, vector<1x16x512xf32>
    %swap3A_82 = vector.shape_cast %swap3A_81 : vector<1x16x512xf32> to vector<16x512xf32>
    %swap3A_83 = vector.shape_cast %transpose3A_77 : vector<16x512xf32> to vector<1x16x512xf32>
    tpu.vector_store %arg4[%swap3A_78, %swap3A_79, %swap3A_80], %swap3A_83 {strides = array<i32>} : memref<16x16x512xf32, #tpu.memory_space<vmem>>, vector<1x16x512xf32>,
    %slice3A_84 = vector.extract_strided_slice %concatenate3A {offsets = [3584, 0], sizes = [512, 16], strides = [1, 1]} : vector<8192x16xf32> to vector<512x16xf32>
    %transpose3A_85 = tpu.transpose %slice3A_84, [1, 0] : vector<512x16xf32> -> vector<16x512xf32>
    %swap3A_86 = arith.constant 7 : index
    %swap3A_87 = arith.constant 0 : index
    %swap3A_88 = arith.constant 0 : index
    %swap3A_89 = vector.load %arg4[%swap3A_86, %swap3A_87, %swap3A_88] : memref<16x16x512xf32, #tpu.memory_space<vmem>>, vector<1x16x512xf32>
    %swap3A_90 = vector.shape_cast %swap3A_89 : vector<1x16x512xf32> to vector<16x512xf32>
    %swap3A_91 = vector.shape_cast %transpose3A_85 : vector<16x512xf32> to vector<1x16x512xf32>
    tpu.vector_store %arg4[%swap3A_86, %swap3A_87, %swap3A_88], %swap3A_91 {strides = array<i32>} : memref<16x16x512xf32, #tpu.memory_space<vmem>>, vector<1x16x512xf32>,
    %slice3A_92 = vector.extract_strided_slice %concatenate3A {offsets = [4096, 0], sizes = [512, 16], strides = [1, 1]} : vector<8192x16xf32> to vector<512x16xf32>
    %transpose3A_93 = tpu.transpose %slice3A_92, [1, 0] : vector<512x16xf32> -> vector<16x512xf32>
    %swap3A_94 = arith.constant 8 : index
    %swap3A_95 = arith.constant 0 : index
    %swap3A_96 = arith.constant 0 : index
    %swap3A_97 = vector.load %arg4[%swap3A_94, %swap3A_95, %swap3A_96] : memref<16x16x512xf32, #tpu.memory_space<vmem>>, vector<1x16x512xf32>
    %swap3A_98 = vector.shape_cast %swap3A_97 : vector<1x16x512xf32> to vector<16x512xf32>
    %swap3A_99 = vector.shape_cast %transpose3A_93 : vector<16x512xf32> to vector<1x16x512xf32>
    tpu.vector_store %arg4[%swap3A_94, %swap3A_95, %swap3A_96], %swap3A_99 {strides = array<i32>} : memref<16x16x512xf32, #tpu.memory_space<vmem>>, vector<1x16x512xf32>,
    %slice3A_100 = vector.extract_strided_slice %concatenate3A {offsets = [4608, 0], sizes = [512, 16], strides = [1, 1]} : vector<8192x16xf32> to vector<512x16xf32>
    %transpose3A_101 = tpu.transpose %slice3A_100, [1, 0] : vector<512x16xf32> -> vector<16x512xf32>
    %swap3A_102 = arith.constant 9 : index
    %swap3A_103 = arith.constant 0 : index
    %swap3A_104 = arith.constant 0 : index
    %swap3A_105 = vector.load %arg4[%swap3A_102, %swap3A_103, %swap3A_104] : memref<16x16x512xf32, #tpu.memory_space<vmem>>, vector<1x16x512xf32>
    %swap3A_106 = vector.shape_cast %swap3A_105 : vector<1x16x512xf32> to vector<16x512xf32>
    %swap3A_107 = vector.shape_cast %transpose3A_101 : vector<16x512xf32> to vector<1x16x512xf32>
    tpu.vector_store %arg4[%swap3A_102, %swap3A_103, %swap3A_104], %swap3A_107 {strides = array<i32>} : memref<16x16x512xf32, #tpu.memory_space<vmem>>, vector<1x16x512xf32>,
    %slice3A_108 = vector.extract_strided_slice %concatenate3A {offsets = [5120, 0], sizes = [512, 16], strides = [1, 1]} : vector<8192x16xf32> to vector<512x16xf32>
    %transpose3A_109 = tpu.transpose %slice3A_108, [1, 0] : vector<512x16xf32> -> vector<16x512xf32>
    %swap3A_110 = arith.constant 10 : index
    %swap3A_111 = arith.constant 0 : index
    %swap3A_112 = arith.constant 0 : index
    %swap3A_113 = vector.load %arg4[%swap3A_110, %swap3A_111, %swap3A_112] : memref<16x16x512xf32, #tpu.memory_space<vmem>>, vector<1x16x512xf32>
    %swap3A_114 = vector.shape_cast %swap3A_113 : vector<1x16x512xf32> to vector<16x512xf32>
    %swap3A_115 = vector.shape_cast %transpose3A_109 : vector<16x512xf32> to vector<1x16x512xf32>
    tpu.vector_store %arg4[%swap3A_110, %swap3A_111, %swap3A_112], %swap3A_115 {strides = array<i32>} : memref<16x16x512xf32, #tpu.memory_space<vmem>>, vector<1x16x512xf32>,
    %slice3A_116 = vector.extract_strided_slice %concatenate3A {offsets = [5632, 0], sizes = [512, 16], strides = [1, 1]} : vector<8192x16xf32> to vector<512x16xf32>
    %transpose3A_117 = tpu.transpose %slice3A_116, [1, 0] : vector<512x16xf32> -> vector<16x512xf32>
    %swap3A_118 = arith.constant 11 : index
    %swap3A_119 = arith.constant 0 : index
    %swap3A_120 = arith.constant 0 : index
    %swap3A_121 = vector.load %arg4[%swap3A_118, %swap3A_119, %swap3A_120] : memref<16x16x512xf32, #tpu.memory_space<vmem>>, vector<1x16x512xf32>
    %swap3A_122 = vector.shape_cast %swap3A_121 : vector<1x16x512xf32> to vector<16x512xf32>
    %swap3A_123 = vector.shape_cast %transpose3A_117 : vector<16x512xf32> to vector<1x16x512xf32>
    tpu.vector_store %arg4[%swap3A_118, %swap3A_119, %swap3A_120], %swap3A_123 {strides = array<i32>} : memref<16x16x512xf32, #tpu.memory_space<vmem>>, vector<1x16x512xf32>,
    %slice3A_124 = vector.extract_strided_slice %concatenate3A {offsets = [6144, 0], sizes = [512, 16], strides = [1, 1]} : vector<8192x16xf32> to vector<512x16xf32>
    %transpose3A_125 = tpu.transpose %slice3A_124, [1, 0] : vector<512x16xf32> -> vector<16x512xf32>
    %swap3A_126 = arith.constant 12 : index
    %swap3A_127 = arith.constant 0 : index
    %swap3A_128 = arith.constant 0 : index
    %swap3A_129 = vector.load %arg4[%swap3A_126, %swap3A_127, %swap3A_128] : memref<16x16x512xf32, #tpu.memory_space<vmem>>, vector<1x16x512xf32>
    %swap3A_130 = vector.shape_cast %swap3A_129 : vector<1x16x512xf32> to vector<16x512xf32>
    %swap3A_131 = vector.shape_cast %transpose3A_125 : vector<16x512xf32> to vector<1x16x512xf32>
    tpu.vector_store %arg4[%swap3A_126, %swap3A_127, %swap3A_128], %swap3A_131 {strides = array<i32>} : memref<16x16x512xf32, #tpu.memory_space<vmem>>, vector<1x16x512xf32>,
    %slice3A_132 = vector.extract_strided_slice %concatenate3A {offsets = [6656, 0], sizes = [512, 16], strides = [1, 1]} : vector<8192x16xf32> to vector<512x16xf32>
    %transpose3A_133 = tpu.transpose %slice3A_132, [1, 0] : vector<512x16xf32> -> vector<16x512xf32>
    %swap3A_134 = arith.constant 13 : index
    %swap3A_135 = arith.constant 0 : index
    %swap3A_136 = arith.constant 0 : index
    %swap3A_137 = vector.load %arg4[%swap3A_134, %swap3A_135, %swap3A_136] : memref<16x16x512xf32, #tpu.memory_space<vmem>>, vector<1x16x512xf32>
    %swap3A_138 = vector.shape_cast %swap3A_137 : vector<1x16x512xf32> to vector<16x512xf32>
    %swap3A_139 = vector.shape_cast %transpose3A_133 : vector<16x512xf32> to vector<1x16x512xf32>
    tpu.vector_store %arg4[%swap3A_134, %swap3A_135, %swap3A_136], %swap3A_139 {strides = array<i32>} : memref<16x16x512xf32, #tpu.memory_space<vmem>>, vector<1x16x512xf32>,
    %slice3A_140 = vector.extract_strided_slice %concatenate3A {offsets = [7168, 0], sizes = [512, 16], strides = [1, 1]} : vector<8192x16xf32> to vector<512x16xf32>
    %transpose3A_141 = tpu.transpose %slice3A_140, [1, 0] : vector<512x16xf32> -> vector<16x512xf32>
    %swap3A_142 = arith.constant 14 : index
    %swap3A_143 = arith.constant 0 : index
    %swap3A_144 = arith.constant 0 : index
    %swap3A_145 = vector.load %arg4[%swap3A_142, %swap3A_143, %swap3A_144] : memref<16x16x512xf32, #tpu.memory_space<vmem>>, vector<1x16x512xf32>
    %swap3A_146 = vector.shape_cast %swap3A_145 : vector<1x16x512xf32> to vector<16x512xf32>
    %swap3A_147 = vector.shape_cast %transpose3A_141 : vector<16x512xf32> to vector<1x16x512xf32>
    tpu.vector_store %arg4[%swap3A_142, %swap3A_143, %swap3A_144], %swap3A_147 {strides = array<i32>} : memref<16x16x512xf32, #tpu.memory_space<vmem>>, vector<1x16x512xf32>,
    %slice3A_148 = vector.extract_strided_slice %concatenate3A {offsets = [7680, 0], sizes = [512, 16], strides = [1, 1]} : vector<8192x16xf32> to vector<512x16xf32>
    %transpose3A_149 = tpu.transpose %slice3A_148, [1, 0] : vector<512x16xf32> -> vector<16x512xf32>
    %swap3A_150 = arith.constant 15 : index
    %swap3A_151 = arith.constant 0 : index
    %swap3A_152 = arith.constant 0 : index
    %swap3A_153 = vector.load %arg4[%swap3A_150, %swap3A_151, %swap3A_152] : memref<16x16x512xf32, #tpu.memory_space<vmem>>, vector<1x16x512xf32>
    %swap3A_154 = vector.shape_cast %swap3A_153 : vector<1x16x512xf32> to vector<16x512xf32>
    %swap3A_155 = vector.shape_cast %transpose3A_149 : vector<16x512xf32> to vector<1x16x512xf32>
    tpu.vector_store %arg4[%swap3A_150, %swap3A_151, %swap3A_152], %swap3A_155 {strides = array<i32>} : memref<16x16x512xf32, #tpu.memory_space<vmem>>, vector<1x16x512xf32>,
    return
  }
}

module attributes {stable_mosaic.version = 14 : i64} {
  func.func @_knn_kernel(%arg0: i32, %arg1: memref<32xi32, #tpu.memory_space<smem>>, %arg2: memref<512x16xf32, #tpu.memory_space<vmem>>, %arg3: memref<16x16x512xf32, #tpu.memory_space<vmem>>, %arg4: memref<16x1x512xi32, #tpu.memory_space<vmem>>, %arg5: memref<512x1xi32, #tpu.memory_space<vmem>>, %arg6: memref<512x3xi32, #tpu.memory_space<vmem>>) attributes {dimension_semantics = [#tpu.dimension_semantics<arbitrary>], iteration_bounds = array<i64: 16>, scalar_prefetch = 0 : i64, scratch_operands = 0 : i64, tpu.core_type = #tpu.core_type<tc>, window_params = [{transform_indices = @transform_0, window_bounds = array<i64: 32>}, {transform_indices = @transform_1, window_bounds = array<i64: 512, 16>}, {pipeline_mode = #tpu.pipeline_mode<synchronous>, transform_indices = @transform_2, window_bounds = array<i64: 16, 16, 512>}, {pipeline_mode = #tpu.pipeline_mode<synchronous>, transform_indices = @transform_3, window_bounds = array<i64: 16, 1, 512>}, {transform_indices = @transform_4, window_bounds = array<i64: 512, 1>}, {transform_indices = @transform_5, window_bounds = array<i64: 512, 3>}]} {
    %mul3A = arith.constant 2 : i32
    %mul3A_0 = arith.muli %mul3A, %arg0 : i32
    %get3A = arith.index_cast %mul3A_0 : i32 to index
    %get3A_1 = memref.load %arg1[%get3A] : memref<32xi32, #tpu.memory_space<smem>>
    %mul3A_2 = arith.constant 2 : i32
    %mul3A_3 = arith.muli %mul3A_2, %arg0 : i32
    %add3A = arith.constant 1 : i32
    %add3A_4 = arith.addi %mul3A_3, %add3A : i32
    %get3A_5 = arith.index_cast %add3A_4 : i32 to index
    %get3A_6 = memref.load %arg1[%get3A_5] : memref<32xi32, #tpu.memory_space<smem>>
    %get3A_7 = arith.constant 0 : index
    %get3A_8 = arith.constant 0 : index
    %get3A_9 = vector.load %arg2[%get3A_7, %get3A_8] : memref<512x16xf32, #tpu.memory_space<vmem>>, vector<512x16xf32>
    %slice3A = vector.extract_strided_slice %get3A_9 {offsets = [0, 0], sizes = [512, 4], strides = [1, 1]} : vector<512x16xf32> to vector<512x4xf32>
    %mul3A_10 = arith.mulf %slice3A, %slice3A : vector<512x4xf32>
    %reduce_sum3A = arith.constant dense<0.000000e+00> : vector<512xf32>
    %reduce_sum3A_11 = vector.multi_reduction <add>, %mul3A_10, %reduce_sum3A [1] : vector<512x4xf32> to vector<512xf32>
    %broadcast_in_dim3A = vector.shape_cast %reduce_sum3A_11 : vector<512xf32> to vector<512x1xf32>
    %get3A_12 = arith.constant 0 : index
    %get3A_13 = arith.constant 0 : index
    %get3A_14 = vector.load %arg5[%get3A_12, %get3A_13] : memref<512x1xi32, #tpu.memory_space<vmem>>, vector<512x1xi32>
    %iota3A = tpu.iota {dimensions = array<i32: 1>} : vector<512x512xi32>
    %convert_element_type3A = arith.sitofp %iota3A : vector<512x512xi32> to vector<512x512xf32>
    %broadcast_in_dim3A_15 = arith.constant 0x7F800000 : f32
    %broadcast_in_dim3A_16 = vector.broadcast %broadcast_in_dim3A_15 : f32 to vector<512x1xf32>
    %broadcast_in_dim3A_17 = arith.constant 1.000000e+09 : f32
    %broadcast_in_dim3A_18 = vector.broadcast %broadcast_in_dim3A_17 : f32 to vector<512x1xf32>
    %broadcast_in_dim3A_19 = arith.constant 0x7F800000 : f32
    %broadcast_in_dim3A_20 = vector.broadcast %broadcast_in_dim3A_19 : f32 to vector<512x1xf32>
    %broadcast_in_dim3A_21 = arith.constant 1.000000e+09 : f32
    %broadcast_in_dim3A_22 = vector.broadcast %broadcast_in_dim3A_21 : f32 to vector<512x1xf32>
    %broadcast_in_dim3A_23 = arith.constant 0x7F800000 : f32
    %broadcast_in_dim3A_24 = vector.broadcast %broadcast_in_dim3A_23 : f32 to vector<512x1xf32>
    %broadcast_in_dim3A_25 = arith.constant 1.000000e+09 : f32
    %broadcast_in_dim3A_26 = vector.broadcast %broadcast_in_dim3A_25 : f32 to vector<512x1xf32>
    %while3A = arith.subi %get3A_6, %get3A_1 : i32
    %while3A_27 = arith.addi %get3A_1, %while3A : i32
    %while3A_28 = arith.constant 1 : i32
    %while3A_29 = arith.divsi %while3A, %while3A_28 : i32
    %while3A_30 = arith.muli %while3A_29, %while3A_28 : i32
    %while3A_31 = arith.addi %get3A_1, %while3A_30 : i32
    %while3A_32 = arith.constant 1 : i32
    %while3A_33:6 = scf.for %while3A_41 = %get3A_1 to %while3A_31 step %while3A_32 iter_args(%while3A_42 = %broadcast_in_dim3A_16, %while3A_43 = %broadcast_in_dim3A_18, %while3A_44 = %broadcast_in_dim3A_20, %while3A_45 = %broadcast_in_dim3A_22, %while3A_46 = %broadcast_in_dim3A_24, %while3A_47 = %broadcast_in_dim3A_26) -> (vector<512x1xf32>, vector<512x1xf32>, vector<512x1xf32>, vector<512x1xf32>, vector<512x1xf32>, vector<512x1xf32>)  : i32 {
      %get3A_48 = arith.index_cast %while3A_41 : i32 to index
      %get3A_49 = arith.constant 0 : index
      %get3A_50 = arith.constant 0 : index
      %get3A_51 = vector.load %arg3[%get3A_48, %get3A_49, %get3A_50] : memref<16x16x512xf32, #tpu.memory_space<vmem>>, vector<1x16x512xf32>
      %squeeze3A = vector.shape_cast %get3A_51 : vector<1x16x512xf32> to vector<16x512xf32>
      %get3A_52 = arith.index_cast %while3A_41 : i32 to index
      %get3A_53 = arith.constant 0 : index
      %get3A_54 = arith.constant 0 : index
      %get3A_55 = vector.load %arg4[%get3A_52, %get3A_53, %get3A_54] : memref<16x1x512xi32, #tpu.memory_space<vmem>>, vector<1x1x512xi32>
      %squeeze3A_56 = vector.shape_cast %get3A_55 : vector<1x1x512xi32> to vector<1x512xi32>
      %dot_general3A = arith.constant dense<0.000000e+00> : vector<512x512xf32>
      %dot_general3A_57 = tpu.matmul %get3A_9, %squeeze3A, %dot_general3A {dimension_numbers = #tpu.dot_dimension_numbers<[1], [0], [0], [1], [0, 0, 1, 1], [], []>, transpose_lhs_hint = false} : vector<512x16xf32>, vector<16x512xf32>, vector<512x512xf32> -> vector<512x512xf32>
      %slice3A_58 = vector.extract_strided_slice %squeeze3A {offsets = [0, 0], sizes = [4, 512], strides = [1, 1]} : vector<16x512xf32> to vector<4x512xf32>
      %mul3A_59 = arith.mulf %slice3A_58, %slice3A_58 : vector<4x512xf32>
      %reduce_sum3A_60 = arith.constant dense<0.000000e+00> : vector<512xf32>
      %reduce_sum3A_61 = vector.multi_reduction <add>, %mul3A_59, %reduce_sum3A_60 [0] : vector<4x512xf32> to vector<512xf32>
      %broadcast_in_dim3A_62 = vector.shape_cast %reduce_sum3A_61 : vector<512xf32> to vector<1x512xf32>
      %add3A_63 = vector.broadcast %broadcast_in_dim3A : vector<512x1xf32> to vector<512x512xf32>
      %add3A_64 = vector.broadcast %broadcast_in_dim3A_62 : vector<1x512xf32> to vector<512x512xf32>
      %add3A_65 = arith.addf %add3A_63, %add3A_64 : vector<512x512xf32>
      %mul3A_66 = arith.constant 2.000000e+00 : f32
      %mul3A_67 = vector.broadcast %mul3A_66 : f32 to vector<512x512xf32>
      %mul3A_68 = arith.mulf %mul3A_67, %dot_general3A_57 : vector<512x512xf32>
      %sub3A = arith.subf %add3A_65, %mul3A_68 : vector<512x512xf32>
      %ne3A = vector.broadcast %get3A_14 : vector<512x1xi32> to vector<512x512xi32>
      %ne3A_69 = vector.broadcast %squeeze3A_56 : vector<1x512xi32> to vector<512x512xi32>
      %ne3A_70 = arith.cmpi ne, %ne3A, %ne3A_69 : vector<512x512xi32>
      %jit3A = arith.constant 0x7F800000 : f32
      %broadcast_in_dim3A_71 = vector.broadcast %jit3A : f32 to vector<512x512xf32>
      %select_n3A = arith.select %ne3A_70, %broadcast_in_dim3A_71, %sub3A : vector<512x512xi1>, vector<512x512xf32>
      %mul3A_72 = arith.constant 512 : i32
      %mul3A_73 = arith.muli %while3A_41, %mul3A_72 : i32
      %convert_element_type3A_74 = arith.sitofp %mul3A_73 : i32 to f32
      %add3A_75 = vector.broadcast %convert_element_type3A_74 : f32 to vector<512x512xf32>
      %add3A_76 = arith.addf %add3A_75, %convert_element_type3A : vector<512x512xf32>
      %reduce_min3A = arith.constant dense<0x7F800000> : vector<512xf32>
      %reduce_min3A_77 = vector.multi_reduction <minimumf>, %select_n3A, %reduce_min3A [1] : vector<512x512xf32> to vector<512xf32>
      %broadcast_in_dim3A_78 = vector.shape_cast %reduce_min3A_77 : vector<512xf32> to vector<512x1xf32>
      %eq3A = vector.broadcast %broadcast_in_dim3A_78 : vector<512x1xf32> to vector<512x512xf32>
      %eq3A_79 = arith.cmpf oeq, %select_n3A, %eq3A : vector<512x512xf32>
      %jit3A_80 = arith.constant 1.000000e+09 : f32
      %broadcast_in_dim3A_81 = vector.broadcast %jit3A_80 : f32 to vector<512x512xf32>
      %select_n3A_82 = arith.select %eq3A_79, %add3A_76, %broadcast_in_dim3A_81 : vector<512x512xi1>, vector<512x512xf32>
      %reduce_min3A_83 = arith.constant dense<0x7F800000> : vector<512xf32>
      %reduce_min3A_84 = vector.multi_reduction <minimumf>, %select_n3A_82, %reduce_min3A_83 [1] : vector<512x512xf32> to vector<512xf32>
      %broadcast_in_dim3A_85 = vector.shape_cast %reduce_min3A_84 : vector<512xf32> to vector<512x1xf32>
      %eq3A_86 = vector.broadcast %broadcast_in_dim3A_85 : vector<512x1xf32> to vector<512x512xf32>
      %eq3A_87 = arith.cmpf oeq, %add3A_76, %eq3A_86 : vector<512x512xf32>
      %jit3A_88 = arith.constant 0x7F800000 : f32
      %broadcast_in_dim3A_89 = vector.broadcast %jit3A_88 : f32 to vector<512x512xf32>
      %select_n3A_90 = arith.select %eq3A_87, %broadcast_in_dim3A_89, %select_n3A : vector<512x512xi1>, vector<512x512xf32>
      %lt3A = arith.cmpf olt, %broadcast_in_dim3A_78, %while3A_42 : vector<512x1xf32>
      %lt3A_91 = arith.cmpf olt, %broadcast_in_dim3A_78, %while3A_44 : vector<512x1xf32>
      %lt3A_92 = arith.cmpf olt, %broadcast_in_dim3A_78, %while3A_46 : vector<512x1xf32>
      %select_n3A_93 = arith.select %lt3A, %broadcast_in_dim3A_78, %while3A_42 : vector<512x1xi1>, vector<512x1xf32>
      %select_n3A_94 = arith.select %lt3A, %broadcast_in_dim3A_85, %while3A_43 : vector<512x1xi1>, vector<512x1xf32>
      %select_n3A_95 = arith.select %lt3A_91, %broadcast_in_dim3A_78, %while3A_44 : vector<512x1xi1>, vector<512x1xf32>
      %select_n3A_96 = arith.select %lt3A, %while3A_42, %select_n3A_95 : vector<512x1xi1>, vector<512x1xf32>
      %select_n3A_97 = arith.select %lt3A_91, %broadcast_in_dim3A_85, %while3A_45 : vector<512x1xi1>, vector<512x1xf32>
      %select_n3A_98 = arith.select %lt3A, %while3A_43, %select_n3A_97 : vector<512x1xi1>, vector<512x1xf32>
      %select_n3A_99 = arith.select %lt3A_92, %broadcast_in_dim3A_78, %while3A_46 : vector<512x1xi1>, vector<512x1xf32>
      %select_n3A_100 = arith.select %lt3A_91, %while3A_44, %select_n3A_99 : vector<512x1xi1>, vector<512x1xf32>
      %select_n3A_101 = arith.select %lt3A_92, %broadcast_in_dim3A_85, %while3A_47 : vector<512x1xi1>, vector<512x1xf32>
      %select_n3A_102 = arith.select %lt3A_91, %while3A_45, %select_n3A_101 : vector<512x1xi1>, vector<512x1xf32>
      %reduce_min3A_103 = arith.constant dense<0x7F800000> : vector<512xf32>
      %reduce_min3A_104 = vector.multi_reduction <minimumf>, %select_n3A_90, %reduce_min3A_103 [1] : vector<512x512xf32> to vector<512xf32>
      %broadcast_in_dim3A_105 = vector.shape_cast %reduce_min3A_104 : vector<512xf32> to vector<512x1xf32>
      %eq3A_106 = vector.broadcast %broadcast_in_dim3A_105 : vector<512x1xf32> to vector<512x512xf32>
      %eq3A_107 = arith.cmpf oeq, %select_n3A_90, %eq3A_106 : vector<512x512xf32>
      %jit3A_108 = arith.constant 1.000000e+09 : f32
      %broadcast_in_dim3A_109 = vector.broadcast %jit3A_108 : f32 to vector<512x512xf32>
      %select_n3A_110 = arith.select %eq3A_107, %add3A_76, %broadcast_in_dim3A_109 : vector<512x512xi1>, vector<512x512xf32>
      %reduce_min3A_111 = arith.constant dense<0x7F800000> : vector<512xf32>
      %reduce_min3A_112 = vector.multi_reduction <minimumf>, %select_n3A_110, %reduce_min3A_111 [1] : vector<512x512xf32> to vector<512xf32>
      %broadcast_in_dim3A_113 = vector.shape_cast %reduce_min3A_112 : vector<512xf32> to vector<512x1xf32>
      %eq3A_114 = vector.broadcast %broadcast_in_dim3A_113 : vector<512x1xf32> to vector<512x512xf32>
      %eq3A_115 = arith.cmpf oeq, %add3A_76, %eq3A_114 : vector<512x512xf32>
      %jit3A_116 = arith.constant 0x7F800000 : f32
      %broadcast_in_dim3A_117 = vector.broadcast %jit3A_116 : f32 to vector<512x512xf32>
      %select_n3A_118 = arith.select %eq3A_115, %broadcast_in_dim3A_117, %select_n3A_90 : vector<512x512xi1>, vector<512x512xf32>
      %lt3A_119 = arith.cmpf olt, %broadcast_in_dim3A_105, %select_n3A_93 : vector<512x1xf32>
      %lt3A_120 = arith.cmpf olt, %broadcast_in_dim3A_105, %select_n3A_96 : vector<512x1xf32>
      %lt3A_121 = arith.cmpf olt, %broadcast_in_dim3A_105, %select_n3A_100 : vector<512x1xf32>
      %select_n3A_122 = arith.select %lt3A_119, %broadcast_in_dim3A_105, %select_n3A_93 : vector<512x1xi1>, vector<512x1xf32>
      %select_n3A_123 = arith.select %lt3A_119, %broadcast_in_dim3A_113, %select_n3A_94 : vector<512x1xi1>, vector<512x1xf32>
      %select_n3A_124 = arith.select %lt3A_120, %broadcast_in_dim3A_105, %select_n3A_96 : vector<512x1xi1>, vector<512x1xf32>
      %select_n3A_125 = arith.select %lt3A_119, %select_n3A_93, %select_n3A_124 : vector<512x1xi1>, vector<512x1xf32>
      %select_n3A_126 = arith.select %lt3A_120, %broadcast_in_dim3A_113, %select_n3A_98 : vector<512x1xi1>, vector<512x1xf32>
      %select_n3A_127 = arith.select %lt3A_119, %select_n3A_94, %select_n3A_126 : vector<512x1xi1>, vector<512x1xf32>
      %select_n3A_128 = arith.select %lt3A_121, %broadcast_in_dim3A_105, %select_n3A_100 : vector<512x1xi1>, vector<512x1xf32>
      %select_n3A_129 = arith.select %lt3A_120, %select_n3A_96, %select_n3A_128 : vector<512x1xi1>, vector<512x1xf32>
      %select_n3A_130 = arith.select %lt3A_121, %broadcast_in_dim3A_113, %select_n3A_102 : vector<512x1xi1>, vector<512x1xf32>
      %select_n3A_131 = arith.select %lt3A_120, %select_n3A_98, %select_n3A_130 : vector<512x1xi1>, vector<512x1xf32>
      %reduce_min3A_132 = arith.constant dense<0x7F800000> : vector<512xf32>
      %reduce_min3A_133 = vector.multi_reduction <minimumf>, %select_n3A_118, %reduce_min3A_132 [1] : vector<512x512xf32> to vector<512xf32>
      %broadcast_in_dim3A_134 = vector.shape_cast %reduce_min3A_133 : vector<512xf32> to vector<512x1xf32>
      %eq3A_135 = vector.broadcast %broadcast_in_dim3A_134 : vector<512x1xf32> to vector<512x512xf32>
      %eq3A_136 = arith.cmpf oeq, %select_n3A_118, %eq3A_135 : vector<512x512xf32>
      %jit3A_137 = arith.constant 1.000000e+09 : f32
      %broadcast_in_dim3A_138 = vector.broadcast %jit3A_137 : f32 to vector<512x512xf32>
      %select_n3A_139 = arith.select %eq3A_136, %add3A_76, %broadcast_in_dim3A_138 : vector<512x512xi1>, vector<512x512xf32>
      %reduce_min3A_140 = arith.constant dense<0x7F800000> : vector<512xf32>
      %reduce_min3A_141 = vector.multi_reduction <minimumf>, %select_n3A_139, %reduce_min3A_140 [1] : vector<512x512xf32> to vector<512xf32>
      %broadcast_in_dim3A_142 = vector.shape_cast %reduce_min3A_141 : vector<512xf32> to vector<512x1xf32>
      %eq3A_143 = vector.broadcast %broadcast_in_dim3A_142 : vector<512x1xf32> to vector<512x512xf32>
      %eq3A_144 = arith.cmpf oeq, %add3A_76, %eq3A_143 : vector<512x512xf32>
      %jit3A_145 = arith.constant 0x7F800000 : f32
      %broadcast_in_dim3A_146 = vector.broadcast %jit3A_145 : f32 to vector<512x512xf32>
      %select_n3A_147 = arith.select %eq3A_144, %broadcast_in_dim3A_146, %select_n3A_118 : vector<512x512xi1>, vector<512x512xf32>
      %lt3A_148 = arith.cmpf olt, %broadcast_in_dim3A_134, %select_n3A_122 : vector<512x1xf32>
      %lt3A_149 = arith.cmpf olt, %broadcast_in_dim3A_134, %select_n3A_125 : vector<512x1xf32>
      %lt3A_150 = arith.cmpf olt, %broadcast_in_dim3A_134, %select_n3A_129 : vector<512x1xf32>
      %select_n3A_151 = arith.select %lt3A_148, %broadcast_in_dim3A_134, %select_n3A_122 : vector<512x1xi1>, vector<512x1xf32>
      %select_n3A_152 = arith.select %lt3A_148, %broadcast_in_dim3A_142, %select_n3A_123 : vector<512x1xi1>, vector<512x1xf32>
      %select_n3A_153 = arith.select %lt3A_149, %broadcast_in_dim3A_134, %select_n3A_125 : vector<512x1xi1>, vector<512x1xf32>
      %select_n3A_154 = arith.select %lt3A_148, %select_n3A_122, %select_n3A_153 : vector<512x1xi1>, vector<512x1xf32>
      %select_n3A_155 = arith.select %lt3A_149, %broadcast_in_dim3A_142, %select_n3A_127 : vector<512x1xi1>, vector<512x1xf32>
      %select_n3A_156 = arith.select %lt3A_148, %select_n3A_123, %select_n3A_155 : vector<512x1xi1>, vector<512x1xf32>
      %select_n3A_157 = arith.select %lt3A_150, %broadcast_in_dim3A_134, %select_n3A_129 : vector<512x1xi1>, vector<512x1xf32>
      %select_n3A_158 = arith.select %lt3A_149, %select_n3A_125, %select_n3A_157 : vector<512x1xi1>, vector<512x1xf32>
      %select_n3A_159 = arith.select %lt3A_150, %broadcast_in_dim3A_142, %select_n3A_131 : vector<512x1xi1>, vector<512x1xf32>
      %select_n3A_160 = arith.select %lt3A_149, %select_n3A_127, %select_n3A_159 : vector<512x1xi1>, vector<512x1xf32>
      scf.yield %select_n3A_151, %select_n3A_152, %select_n3A_154, %select_n3A_156, %select_n3A_158, %select_n3A_160 : vector<512x1xf32>, vector<512x1xf32>, vector<512x1xf32>, vector<512x1xf32>, vector<512x1xf32>, vector<512x1xf32>
    }
    %while3A_34 = arith.constant 1 : i32
    %while3A_35:6 = scf.for %while3A_41 = %while3A_31 to %while3A_27 step %while3A_34 iter_args(%while3A_42 = %while3A_33#0, %while3A_43 = %while3A_33#1, %while3A_44 = %while3A_33#2, %while3A_45 = %while3A_33#3, %while3A_46 = %while3A_33#4, %while3A_47 = %while3A_33#5) -> (vector<512x1xf32>, vector<512x1xf32>, vector<512x1xf32>, vector<512x1xf32>, vector<512x1xf32>, vector<512x1xf32>)  : i32 {
      %get3A_48 = arith.index_cast %while3A_41 : i32 to index
      %get3A_49 = arith.constant 0 : index
      %get3A_50 = arith.constant 0 : index
      %get3A_51 = vector.load %arg3[%get3A_48, %get3A_49, %get3A_50] : memref<16x16x512xf32, #tpu.memory_space<vmem>>, vector<1x16x512xf32>
      %squeeze3A = vector.shape_cast %get3A_51 : vector<1x16x512xf32> to vector<16x512xf32>
      %get3A_52 = arith.index_cast %while3A_41 : i32 to index
      %get3A_53 = arith.constant 0 : index
      %get3A_54 = arith.constant 0 : index
      %get3A_55 = vector.load %arg4[%get3A_52, %get3A_53, %get3A_54] : memref<16x1x512xi32, #tpu.memory_space<vmem>>, vector<1x1x512xi32>
      %squeeze3A_56 = vector.shape_cast %get3A_55 : vector<1x1x512xi32> to vector<1x512xi32>
      %dot_general3A = arith.constant dense<0.000000e+00> : vector<512x512xf32>
      %dot_general3A_57 = tpu.matmul %get3A_9, %squeeze3A, %dot_general3A {dimension_numbers = #tpu.dot_dimension_numbers<[1], [0], [0], [1], [0, 0, 1, 1], [], []>, transpose_lhs_hint = false} : vector<512x16xf32>, vector<16x512xf32>, vector<512x512xf32> -> vector<512x512xf32>
      %slice3A_58 = vector.extract_strided_slice %squeeze3A {offsets = [0, 0], sizes = [4, 512], strides = [1, 1]} : vector<16x512xf32> to vector<4x512xf32>
      %mul3A_59 = arith.mulf %slice3A_58, %slice3A_58 : vector<4x512xf32>
      %reduce_sum3A_60 = arith.constant dense<0.000000e+00> : vector<512xf32>
      %reduce_sum3A_61 = vector.multi_reduction <add>, %mul3A_59, %reduce_sum3A_60 [0] : vector<4x512xf32> to vector<512xf32>
      %broadcast_in_dim3A_62 = vector.shape_cast %reduce_sum3A_61 : vector<512xf32> to vector<1x512xf32>
      %add3A_63 = vector.broadcast %broadcast_in_dim3A : vector<512x1xf32> to vector<512x512xf32>
      %add3A_64 = vector.broadcast %broadcast_in_dim3A_62 : vector<1x512xf32> to vector<512x512xf32>
      %add3A_65 = arith.addf %add3A_63, %add3A_64 : vector<512x512xf32>
      %mul3A_66 = arith.constant 2.000000e+00 : f32
      %mul3A_67 = vector.broadcast %mul3A_66 : f32 to vector<512x512xf32>
      %mul3A_68 = arith.mulf %mul3A_67, %dot_general3A_57 : vector<512x512xf32>
      %sub3A = arith.subf %add3A_65, %mul3A_68 : vector<512x512xf32>
      %ne3A = vector.broadcast %get3A_14 : vector<512x1xi32> to vector<512x512xi32>
      %ne3A_69 = vector.broadcast %squeeze3A_56 : vector<1x512xi32> to vector<512x512xi32>
      %ne3A_70 = arith.cmpi ne, %ne3A, %ne3A_69 : vector<512x512xi32>
      %jit3A = arith.constant 0x7F800000 : f32
      %broadcast_in_dim3A_71 = vector.broadcast %jit3A : f32 to vector<512x512xf32>
      %select_n3A = arith.select %ne3A_70, %broadcast_in_dim3A_71, %sub3A : vector<512x512xi1>, vector<512x512xf32>
      %mul3A_72 = arith.constant 512 : i32
      %mul3A_73 = arith.muli %while3A_41, %mul3A_72 : i32
      %convert_element_type3A_74 = arith.sitofp %mul3A_73 : i32 to f32
      %add3A_75 = vector.broadcast %convert_element_type3A_74 : f32 to vector<512x512xf32>
      %add3A_76 = arith.addf %add3A_75, %convert_element_type3A : vector<512x512xf32>
      %reduce_min3A = arith.constant dense<0x7F800000> : vector<512xf32>
      %reduce_min3A_77 = vector.multi_reduction <minimumf>, %select_n3A, %reduce_min3A [1] : vector<512x512xf32> to vector<512xf32>
      %broadcast_in_dim3A_78 = vector.shape_cast %reduce_min3A_77 : vector<512xf32> to vector<512x1xf32>
      %eq3A = vector.broadcast %broadcast_in_dim3A_78 : vector<512x1xf32> to vector<512x512xf32>
      %eq3A_79 = arith.cmpf oeq, %select_n3A, %eq3A : vector<512x512xf32>
      %jit3A_80 = arith.constant 1.000000e+09 : f32
      %broadcast_in_dim3A_81 = vector.broadcast %jit3A_80 : f32 to vector<512x512xf32>
      %select_n3A_82 = arith.select %eq3A_79, %add3A_76, %broadcast_in_dim3A_81 : vector<512x512xi1>, vector<512x512xf32>
      %reduce_min3A_83 = arith.constant dense<0x7F800000> : vector<512xf32>
      %reduce_min3A_84 = vector.multi_reduction <minimumf>, %select_n3A_82, %reduce_min3A_83 [1] : vector<512x512xf32> to vector<512xf32>
      %broadcast_in_dim3A_85 = vector.shape_cast %reduce_min3A_84 : vector<512xf32> to vector<512x1xf32>
      %eq3A_86 = vector.broadcast %broadcast_in_dim3A_85 : vector<512x1xf32> to vector<512x512xf32>
      %eq3A_87 = arith.cmpf oeq, %add3A_76, %eq3A_86 : vector<512x512xf32>
      %jit3A_88 = arith.constant 0x7F800000 : f32
      %broadcast_in_dim3A_89 = vector.broadcast %jit3A_88 : f32 to vector<512x512xf32>
      %select_n3A_90 = arith.select %eq3A_87, %broadcast_in_dim3A_89, %select_n3A : vector<512x512xi1>, vector<512x512xf32>
      %lt3A = arith.cmpf olt, %broadcast_in_dim3A_78, %while3A_42 : vector<512x1xf32>
      %lt3A_91 = arith.cmpf olt, %broadcast_in_dim3A_78, %while3A_44 : vector<512x1xf32>
      %lt3A_92 = arith.cmpf olt, %broadcast_in_dim3A_78, %while3A_46 : vector<512x1xf32>
      %select_n3A_93 = arith.select %lt3A, %broadcast_in_dim3A_78, %while3A_42 : vector<512x1xi1>, vector<512x1xf32>
      %select_n3A_94 = arith.select %lt3A, %broadcast_in_dim3A_85, %while3A_43 : vector<512x1xi1>, vector<512x1xf32>
      %select_n3A_95 = arith.select %lt3A_91, %broadcast_in_dim3A_78, %while3A_44 : vector<512x1xi1>, vector<512x1xf32>
      %select_n3A_96 = arith.select %lt3A, %while3A_42, %select_n3A_95 : vector<512x1xi1>, vector<512x1xf32>
      %select_n3A_97 = arith.select %lt3A_91, %broadcast_in_dim3A_85, %while3A_45 : vector<512x1xi1>, vector<512x1xf32>
      %select_n3A_98 = arith.select %lt3A, %while3A_43, %select_n3A_97 : vector<512x1xi1>, vector<512x1xf32>
      %select_n3A_99 = arith.select %lt3A_92, %broadcast_in_dim3A_78, %while3A_46 : vector<512x1xi1>, vector<512x1xf32>
      %select_n3A_100 = arith.select %lt3A_91, %while3A_44, %select_n3A_99 : vector<512x1xi1>, vector<512x1xf32>
      %select_n3A_101 = arith.select %lt3A_92, %broadcast_in_dim3A_85, %while3A_47 : vector<512x1xi1>, vector<512x1xf32>
      %select_n3A_102 = arith.select %lt3A_91, %while3A_45, %select_n3A_101 : vector<512x1xi1>, vector<512x1xf32>
      %reduce_min3A_103 = arith.constant dense<0x7F800000> : vector<512xf32>
      %reduce_min3A_104 = vector.multi_reduction <minimumf>, %select_n3A_90, %reduce_min3A_103 [1] : vector<512x512xf32> to vector<512xf32>
      %broadcast_in_dim3A_105 = vector.shape_cast %reduce_min3A_104 : vector<512xf32> to vector<512x1xf32>
      %eq3A_106 = vector.broadcast %broadcast_in_dim3A_105 : vector<512x1xf32> to vector<512x512xf32>
      %eq3A_107 = arith.cmpf oeq, %select_n3A_90, %eq3A_106 : vector<512x512xf32>
      %jit3A_108 = arith.constant 1.000000e+09 : f32
      %broadcast_in_dim3A_109 = vector.broadcast %jit3A_108 : f32 to vector<512x512xf32>
      %select_n3A_110 = arith.select %eq3A_107, %add3A_76, %broadcast_in_dim3A_109 : vector<512x512xi1>, vector<512x512xf32>
      %reduce_min3A_111 = arith.constant dense<0x7F800000> : vector<512xf32>
      %reduce_min3A_112 = vector.multi_reduction <minimumf>, %select_n3A_110, %reduce_min3A_111 [1] : vector<512x512xf32> to vector<512xf32>
      %broadcast_in_dim3A_113 = vector.shape_cast %reduce_min3A_112 : vector<512xf32> to vector<512x1xf32>
      %eq3A_114 = vector.broadcast %broadcast_in_dim3A_113 : vector<512x1xf32> to vector<512x512xf32>
      %eq3A_115 = arith.cmpf oeq, %add3A_76, %eq3A_114 : vector<512x512xf32>
      %jit3A_116 = arith.constant 0x7F800000 : f32
      %broadcast_in_dim3A_117 = vector.broadcast %jit3A_116 : f32 to vector<512x512xf32>
      %select_n3A_118 = arith.select %eq3A_115, %broadcast_in_dim3A_117, %select_n3A_90 : vector<512x512xi1>, vector<512x512xf32>
      %lt3A_119 = arith.cmpf olt, %broadcast_in_dim3A_105, %select_n3A_93 : vector<512x1xf32>
      %lt3A_120 = arith.cmpf olt, %broadcast_in_dim3A_105, %select_n3A_96 : vector<512x1xf32>
      %lt3A_121 = arith.cmpf olt, %broadcast_in_dim3A_105, %select_n3A_100 : vector<512x1xf32>
      %select_n3A_122 = arith.select %lt3A_119, %broadcast_in_dim3A_105, %select_n3A_93 : vector<512x1xi1>, vector<512x1xf32>
      %select_n3A_123 = arith.select %lt3A_119, %broadcast_in_dim3A_113, %select_n3A_94 : vector<512x1xi1>, vector<512x1xf32>
      %select_n3A_124 = arith.select %lt3A_120, %broadcast_in_dim3A_105, %select_n3A_96 : vector<512x1xi1>, vector<512x1xf32>
      %select_n3A_125 = arith.select %lt3A_119, %select_n3A_93, %select_n3A_124 : vector<512x1xi1>, vector<512x1xf32>
      %select_n3A_126 = arith.select %lt3A_120, %broadcast_in_dim3A_113, %select_n3A_98 : vector<512x1xi1>, vector<512x1xf32>
      %select_n3A_127 = arith.select %lt3A_119, %select_n3A_94, %select_n3A_126 : vector<512x1xi1>, vector<512x1xf32>
      %select_n3A_128 = arith.select %lt3A_121, %broadcast_in_dim3A_105, %select_n3A_100 : vector<512x1xi1>, vector<512x1xf32>
      %select_n3A_129 = arith.select %lt3A_120, %select_n3A_96, %select_n3A_128 : vector<512x1xi1>, vector<512x1xf32>
      %select_n3A_130 = arith.select %lt3A_121, %broadcast_in_dim3A_113, %select_n3A_102 : vector<512x1xi1>, vector<512x1xf32>
      %select_n3A_131 = arith.select %lt3A_120, %select_n3A_98, %select_n3A_130 : vector<512x1xi1>, vector<512x1xf32>
      %reduce_min3A_132 = arith.constant dense<0x7F800000> : vector<512xf32>
      %reduce_min3A_133 = vector.multi_reduction <minimumf>, %select_n3A_118, %reduce_min3A_132 [1] : vector<512x512xf32> to vector<512xf32>
      %broadcast_in_dim3A_134 = vector.shape_cast %reduce_min3A_133 : vector<512xf32> to vector<512x1xf32>
      %eq3A_135 = vector.broadcast %broadcast_in_dim3A_134 : vector<512x1xf32> to vector<512x512xf32>
      %eq3A_136 = arith.cmpf oeq, %select_n3A_118, %eq3A_135 : vector<512x512xf32>
      %jit3A_137 = arith.constant 1.000000e+09 : f32
      %broadcast_in_dim3A_138 = vector.broadcast %jit3A_137 : f32 to vector<512x512xf32>
      %select_n3A_139 = arith.select %eq3A_136, %add3A_76, %broadcast_in_dim3A_138 : vector<512x512xi1>, vector<512x512xf32>
      %reduce_min3A_140 = arith.constant dense<0x7F800000> : vector<512xf32>
      %reduce_min3A_141 = vector.multi_reduction <minimumf>, %select_n3A_139, %reduce_min3A_140 [1] : vector<512x512xf32> to vector<512xf32>
      %broadcast_in_dim3A_142 = vector.shape_cast %reduce_min3A_141 : vector<512xf32> to vector<512x1xf32>
      %eq3A_143 = vector.broadcast %broadcast_in_dim3A_142 : vector<512x1xf32> to vector<512x512xf32>
      %eq3A_144 = arith.cmpf oeq, %add3A_76, %eq3A_143 : vector<512x512xf32>
      %jit3A_145 = arith.constant 0x7F800000 : f32
      %broadcast_in_dim3A_146 = vector.broadcast %jit3A_145 : f32 to vector<512x512xf32>
      %select_n3A_147 = arith.select %eq3A_144, %broadcast_in_dim3A_146, %select_n3A_118 : vector<512x512xi1>, vector<512x512xf32>
      %lt3A_148 = arith.cmpf olt, %broadcast_in_dim3A_134, %select_n3A_122 : vector<512x1xf32>
      %lt3A_149 = arith.cmpf olt, %broadcast_in_dim3A_134, %select_n3A_125 : vector<512x1xf32>
      %lt3A_150 = arith.cmpf olt, %broadcast_in_dim3A_134, %select_n3A_129 : vector<512x1xf32>
      %select_n3A_151 = arith.select %lt3A_148, %broadcast_in_dim3A_134, %select_n3A_122 : vector<512x1xi1>, vector<512x1xf32>
      %select_n3A_152 = arith.select %lt3A_148, %broadcast_in_dim3A_142, %select_n3A_123 : vector<512x1xi1>, vector<512x1xf32>
      %select_n3A_153 = arith.select %lt3A_149, %broadcast_in_dim3A_134, %select_n3A_125 : vector<512x1xi1>, vector<512x1xf32>
      %select_n3A_154 = arith.select %lt3A_148, %select_n3A_122, %select_n3A_153 : vector<512x1xi1>, vector<512x1xf32>
      %select_n3A_155 = arith.select %lt3A_149, %broadcast_in_dim3A_142, %select_n3A_127 : vector<512x1xi1>, vector<512x1xf32>
      %select_n3A_156 = arith.select %lt3A_148, %select_n3A_123, %select_n3A_155 : vector<512x1xi1>, vector<512x1xf32>
      %select_n3A_157 = arith.select %lt3A_150, %broadcast_in_dim3A_134, %select_n3A_129 : vector<512x1xi1>, vector<512x1xf32>
      %select_n3A_158 = arith.select %lt3A_149, %select_n3A_125, %select_n3A_157 : vector<512x1xi1>, vector<512x1xf32>
      %select_n3A_159 = arith.select %lt3A_150, %broadcast_in_dim3A_142, %select_n3A_131 : vector<512x1xi1>, vector<512x1xf32>
      %select_n3A_160 = arith.select %lt3A_149, %select_n3A_127, %select_n3A_159 : vector<512x1xi1>, vector<512x1xf32>
      scf.yield %select_n3A_151, %select_n3A_152, %select_n3A_154, %select_n3A_156, %select_n3A_158, %select_n3A_160 : vector<512x1xf32>, vector<512x1xf32>, vector<512x1xf32>, vector<512x1xf32>, vector<512x1xf32>, vector<512x1xf32>
    }
    %concatenate3A = tpu.concatenate %while3A_35#1, %while3A_35#3, %while3A_35#5 in 1 : vector<512x1xf32>, vector<512x1xf32>, vector<512x1xf32> -> vector<512x3xf32>
    %min3A = arith.constant 8.191000e+03 : f32
    %min3A_36 = vector.broadcast %min3A : f32 to vector<512x3xf32>
    %min3A_37 = arith.minimumf %concatenate3A, %min3A_36 : vector<512x3xf32>
    %convert_element_type3A_38 = arith.fptosi %min3A_37 : vector<512x3xf32> to vector<512x3xi32>
    %swap3A = arith.constant 0 : index
    %swap3A_39 = arith.constant 0 : index
    %swap3A_40 = vector.load %arg6[%swap3A, %swap3A_39] : memref<512x3xi32, #tpu.memory_space<vmem>>, vector<512x3xi32>
    tpu.vector_store %arg6[%swap3A, %swap3A_39], %convert_element_type3A_38 {strides = array<i32>} : memref<512x3xi32, #tpu.memory_space<vmem>>, vector<512x3xi32>,
    return
  }
  func.func @transform_0(%arg0: i32) -> i32 {
    %c0_i32 = arith.constant 0 : i32
    %c0_i32_0 = arith.constant 0 : i32
    return %c0_i32 : i32
  }
  func.func @transform_1(%arg0: i32) -> (i32, i32) {
    %c0_i32 = arith.constant 0 : i32
    %c0_i32_0 = arith.constant 0 : i32
    return %arg0, %c0_i32 : i32, i32
  }
  func.func @transform_2(%arg0: i32) -> (i32, i32, i32) {
    %c0_i32 = arith.constant 0 : i32
    %c0_i32_0 = arith.constant 0 : i32
    %c0_i32_1 = arith.constant 0 : i32
    %c0_i32_2 = arith.constant 0 : i32
    return %c0_i32, %c0_i32_0, %c0_i32_1 : i32, i32, i32
  }
  func.func @transform_3(%arg0: i32) -> (i32, i32, i32) {
    %c0_i32 = arith.constant 0 : i32
    %c0_i32_0 = arith.constant 0 : i32
    %c0_i32_1 = arith.constant 0 : i32
    %c0_i32_2 = arith.constant 0 : i32
    return %c0_i32, %c0_i32_0, %c0_i32_1 : i32, i32, i32
  }
  func.func @transform_4(%arg0: i32) -> (i32, i32) {
    %c0_i32 = arith.constant 0 : i32
    %c0_i32_0 = arith.constant 0 : i32
    return %arg0, %c0_i32 : i32, i32
  }
  func.func @transform_5(%arg0: i32) -> (i32, i32) {
    %c0_i32 = arith.constant 0 : i32
    %c0_i32_0 = arith.constant 0 : i32
    return %arg0, %c0_i32 : i32, i32
  }
}

module attributes {stable_mosaic.version = 14 : i64} {
  func.func @_enc_kernel(%arg0: i32, %arg1: memref<4096x16xf32, #tpu.memory_space<vmem>>, %arg2: memref<3x4096x16xf32, #tpu.memory_space<vmem>>, %arg3: memref<8x128xf32, #tpu.memory_space<vmem>>, %arg4: memref<1x128xf32, #tpu.memory_space<vmem>>, %arg5: memref<128x128xf32, #tpu.memory_space<vmem>>, %arg6: memref<1x128xf32, #tpu.memory_space<vmem>>, %arg7: memref<128x16xf32, #tpu.memory_space<vmem>>, %arg8: memref<1x16xf32, #tpu.memory_space<vmem>>, %arg9: memref<4096x16xf32, #tpu.memory_space<vmem>>, %arg10: memref<8x16x512xf32, #tpu.memory_space<vmem>>) attributes {dimension_semantics = [#tpu.dimension_semantics<arbitrary>], iteration_bounds = array<i64: 2>, scalar_prefetch = 0 : i64, scratch_operands = 0 : i64, tpu.core_type = #tpu.core_type<tc>, window_params = [{transform_indices = @transform_0, window_bounds = array<i64: 4096, 16>}, {transform_indices = @transform_1, window_bounds = array<i64: 3, 4096, 16>}, {pipeline_mode = #tpu.pipeline_mode<synchronous>, transform_indices = @transform_2, window_bounds = array<i64: 8, 128>}, {pipeline_mode = #tpu.pipeline_mode<synchronous>, transform_indices = @transform_3, window_bounds = array<i64: 1, 128>}, {pipeline_mode = #tpu.pipeline_mode<synchronous>, transform_indices = @transform_4, window_bounds = array<i64: 128, 128>}, {pipeline_mode = #tpu.pipeline_mode<synchronous>, transform_indices = @transform_5, window_bounds = array<i64: 1, 128>}, {pipeline_mode = #tpu.pipeline_mode<synchronous>, transform_indices = @transform_6, window_bounds = array<i64: 128, 16>}, {pipeline_mode = #tpu.pipeline_mode<synchronous>, transform_indices = @transform_7, window_bounds = array<i64: 1, 16>}, {transform_indices = @transform_8, window_bounds = array<i64: 4096, 16>}, {transform_indices = @transform_9, window_bounds = array<i64: 8, 16, 512>}]} {
    %get3A = arith.constant 0 : index
    %get3A_0 = arith.constant 0 : index
    %get3A_1 = vector.load %arg1[%get3A, %get3A_0] : memref<4096x16xf32, #tpu.memory_space<vmem>>, vector<4096x4xf32>
    %get3A_2 = arith.constant 0 : index
    %get3A_3 = arith.constant 0 : index
    %get3A_4 = vector.load %arg3[%get3A_2, %get3A_3] : memref<8x128xf32, #tpu.memory_space<vmem>>, vector<8x128xf32>
    %get3A_5 = arith.constant 0 : index
    %get3A_6 = arith.constant 0 : index
    %get3A_7 = vector.load %arg4[%get3A_5, %get3A_6] : memref<1x128xf32, #tpu.memory_space<vmem>>, vector<1x128xf32>
    %get3A_8 = arith.constant 0 : index
    %get3A_9 = arith.constant 0 : index
    %get3A_10 = vector.load %arg5[%get3A_8, %get3A_9] : memref<128x128xf32, #tpu.memory_space<vmem>>, vector<128x128xf32>
    %get3A_11 = arith.constant 0 : index
    %get3A_12 = arith.constant 0 : index
    %get3A_13 = vector.load %arg6[%get3A_11, %get3A_12] : memref<1x128xf32, #tpu.memory_space<vmem>>, vector<1x128xf32>
    %get3A_14 = arith.constant 0 : index
    %get3A_15 = arith.constant 0 : index
    %get3A_16 = vector.load %arg7[%get3A_14, %get3A_15] : memref<128x16xf32, #tpu.memory_space<vmem>>, vector<128x16xf32>
    %get3A_17 = arith.constant 0 : index
    %get3A_18 = arith.constant 0 : index
    %get3A_19 = vector.load %arg8[%get3A_17, %get3A_18] : memref<1x16xf32, #tpu.memory_space<vmem>>, vector<1x16xf32>
    %broadcast_in_dim3A = arith.constant 0.000000e+00 : f32
    %broadcast_in_dim3A_20 = vector.broadcast %broadcast_in_dim3A : f32 to vector<4096x16xf32>
    %get3A_21 = arith.constant 0 : index
    %get3A_22 = arith.constant 0 : index
    %get3A_23 = arith.constant 0 : index
    %get3A_24 = vector.load %arg2[%get3A_21, %get3A_22, %get3A_23] : memref<3x4096x16xf32, #tpu.memory_space<vmem>>, vector<1x4096x16xf32>
    %get3A_25 = vector.shape_cast %get3A_24 : vector<1x4096x16xf32> to vector<4096x16xf32>
    %slice3A = vector.extract_strided_slice %get3A_25 {offsets = [0, 0], sizes = [4096, 4], strides = [1, 1]} : vector<4096x16xf32> to vector<4096x4xf32>
    %sub3A = arith.subf %slice3A, %get3A_1 : vector<4096x4xf32>
    %concatenate3A = tpu.concatenate %get3A_1, %sub3A in 1 : vector<4096x4xf32>, vector<4096x4xf32> -> vector<4096x8xf32>
    %dot_general3A = arith.constant dense<0.000000e+00> : vector<4096x128xf32>
    %dot_general3A_26 = tpu.matmul %concatenate3A, %get3A_4, %dot_general3A {dimension_numbers = #tpu.dot_dimension_numbers<[1], [0], [0], [1], [0, 0, 1, 1], [], []>, transpose_lhs_hint = false} : vector<4096x8xf32>, vector<8x128xf32>, vector<4096x128xf32> -> vector<4096x128xf32>
    %add3A = vector.broadcast %get3A_7 : vector<1x128xf32> to vector<4096x128xf32>
    %add3A_27 = arith.addf %dot_general3A_26, %add3A : vector<4096x128xf32>
    %max3A = arith.constant 0.000000e+00 : f32
    %max3A_28 = vector.broadcast %max3A : f32 to vector<4096x128xf32>
    %max3A_29 = arith.maximumf %add3A_27, %max3A_28 : vector<4096x128xf32>
    %dot_general3A_30 = arith.constant dense<0.000000e+00> : vector<4096x128xf32>
    %dot_general3A_31 = tpu.matmul %max3A_29, %get3A_10, %dot_general3A_30 {dimension_numbers = #tpu.dot_dimension_numbers<[1], [0], [0], [1], [0, 0, 1, 1], [], []>, transpose_lhs_hint = false} : vector<4096x128xf32>, vector<128x128xf32>, vector<4096x128xf32> -> vector<4096x128xf32>
    %add3A_32 = vector.broadcast %get3A_13 : vector<1x128xf32> to vector<4096x128xf32>
    %add3A_33 = arith.addf %dot_general3A_31, %add3A_32 : vector<4096x128xf32>
    %max3A_34 = arith.constant 0.000000e+00 : f32
    %max3A_35 = vector.broadcast %max3A_34 : f32 to vector<4096x128xf32>
    %max3A_36 = arith.maximumf %add3A_33, %max3A_35 : vector<4096x128xf32>
    %dot_general3A_37 = arith.constant dense<0.000000e+00> : vector<4096x16xf32>
    %dot_general3A_38 = tpu.matmul %max3A_36, %get3A_16, %dot_general3A_37 {dimension_numbers = #tpu.dot_dimension_numbers<[1], [0], [0], [1], [0, 0, 1, 1], [], []>, transpose_lhs_hint = false} : vector<4096x128xf32>, vector<128x16xf32>, vector<4096x16xf32> -> vector<4096x16xf32>
    %add3A_39 = vector.broadcast %get3A_19 : vector<1x16xf32> to vector<4096x16xf32>
    %add3A_40 = arith.addf %dot_general3A_38, %add3A_39 : vector<4096x16xf32>
    %max3A_41 = arith.constant 0.000000e+00 : f32
    %max3A_42 = vector.broadcast %max3A_41 : f32 to vector<4096x16xf32>
    %max3A_43 = arith.maximumf %add3A_40, %max3A_42 : vector<4096x16xf32>
    %add3A_44 = arith.addf %broadcast_in_dim3A_20, %max3A_43 : vector<4096x16xf32>
    %get3A_45 = arith.constant 1 : index
    %get3A_46 = arith.constant 0 : index
    %get3A_47 = arith.constant 0 : index
    %get3A_48 = vector.load %arg2[%get3A_45, %get3A_46, %get3A_47] : memref<3x4096x16xf32, #tpu.memory_space<vmem>>, vector<1x4096x16xf32>
    %get3A_49 = vector.shape_cast %get3A_48 : vector<1x4096x16xf32> to vector<4096x16xf32>
    %slice3A_50 = vector.extract_strided_slice %get3A_49 {offsets = [0, 0], sizes = [4096, 4], strides = [1, 1]} : vector<4096x16xf32> to vector<4096x4xf32>
    %sub3A_51 = arith.subf %slice3A_50, %get3A_1 : vector<4096x4xf32>
    %concatenate3A_52 = tpu.concatenate %get3A_1, %sub3A_51 in 1 : vector<4096x4xf32>, vector<4096x4xf32> -> vector<4096x8xf32>
    %dot_general3A_53 = arith.constant dense<0.000000e+00> : vector<4096x128xf32>
    %dot_general3A_54 = tpu.matmul %concatenate3A_52, %get3A_4, %dot_general3A_53 {dimension_numbers = #tpu.dot_dimension_numbers<[1], [0], [0], [1], [0, 0, 1, 1], [], []>, transpose_lhs_hint = false} : vector<4096x8xf32>, vector<8x128xf32>, vector<4096x128xf32> -> vector<4096x128xf32>
    %add3A_55 = vector.broadcast %get3A_7 : vector<1x128xf32> to vector<4096x128xf32>
    %add3A_56 = arith.addf %dot_general3A_54, %add3A_55 : vector<4096x128xf32>
    %max3A_57 = arith.constant 0.000000e+00 : f32
    %max3A_58 = vector.broadcast %max3A_57 : f32 to vector<4096x128xf32>
    %max3A_59 = arith.maximumf %add3A_56, %max3A_58 : vector<4096x128xf32>
    %dot_general3A_60 = arith.constant dense<0.000000e+00> : vector<4096x128xf32>
    %dot_general3A_61 = tpu.matmul %max3A_59, %get3A_10, %dot_general3A_60 {dimension_numbers = #tpu.dot_dimension_numbers<[1], [0], [0], [1], [0, 0, 1, 1], [], []>, transpose_lhs_hint = false} : vector<4096x128xf32>, vector<128x128xf32>, vector<4096x128xf32> -> vector<4096x128xf32>
    %add3A_62 = vector.broadcast %get3A_13 : vector<1x128xf32> to vector<4096x128xf32>
    %add3A_63 = arith.addf %dot_general3A_61, %add3A_62 : vector<4096x128xf32>
    %max3A_64 = arith.constant 0.000000e+00 : f32
    %max3A_65 = vector.broadcast %max3A_64 : f32 to vector<4096x128xf32>
    %max3A_66 = arith.maximumf %add3A_63, %max3A_65 : vector<4096x128xf32>
    %dot_general3A_67 = arith.constant dense<0.000000e+00> : vector<4096x16xf32>
    %dot_general3A_68 = tpu.matmul %max3A_66, %get3A_16, %dot_general3A_67 {dimension_numbers = #tpu.dot_dimension_numbers<[1], [0], [0], [1], [0, 0, 1, 1], [], []>, transpose_lhs_hint = false} : vector<4096x128xf32>, vector<128x16xf32>, vector<4096x16xf32> -> vector<4096x16xf32>
    %add3A_69 = vector.broadcast %get3A_19 : vector<1x16xf32> to vector<4096x16xf32>
    %add3A_70 = arith.addf %dot_general3A_68, %add3A_69 : vector<4096x16xf32>
    %max3A_71 = arith.constant 0.000000e+00 : f32
    %max3A_72 = vector.broadcast %max3A_71 : f32 to vector<4096x16xf32>
    %max3A_73 = arith.maximumf %add3A_70, %max3A_72 : vector<4096x16xf32>
    %add3A_74 = arith.addf %add3A_44, %max3A_73 : vector<4096x16xf32>
    %get3A_75 = arith.constant 2 : index
    %get3A_76 = arith.constant 0 : index
    %get3A_77 = arith.constant 0 : index
    %get3A_78 = vector.load %arg2[%get3A_75, %get3A_76, %get3A_77] : memref<3x4096x16xf32, #tpu.memory_space<vmem>>, vector<1x4096x16xf32>
    %get3A_79 = vector.shape_cast %get3A_78 : vector<1x4096x16xf32> to vector<4096x16xf32>
    %slice3A_80 = vector.extract_strided_slice %get3A_79 {offsets = [0, 0], sizes = [4096, 4], strides = [1, 1]} : vector<4096x16xf32> to vector<4096x4xf32>
    %sub3A_81 = arith.subf %slice3A_80, %get3A_1 : vector<4096x4xf32>
    %concatenate3A_82 = tpu.concatenate %get3A_1, %sub3A_81 in 1 : vector<4096x4xf32>, vector<4096x4xf32> -> vector<4096x8xf32>
    %dot_general3A_83 = arith.constant dense<0.000000e+00> : vector<4096x128xf32>
    %dot_general3A_84 = tpu.matmul %concatenate3A_82, %get3A_4, %dot_general3A_83 {dimension_numbers = #tpu.dot_dimension_numbers<[1], [0], [0], [1], [0, 0, 1, 1], [], []>, transpose_lhs_hint = false} : vector<4096x8xf32>, vector<8x128xf32>, vector<4096x128xf32> -> vector<4096x128xf32>
    %add3A_85 = vector.broadcast %get3A_7 : vector<1x128xf32> to vector<4096x128xf32>
    %add3A_86 = arith.addf %dot_general3A_84, %add3A_85 : vector<4096x128xf32>
    %max3A_87 = arith.constant 0.000000e+00 : f32
    %max3A_88 = vector.broadcast %max3A_87 : f32 to vector<4096x128xf32>
    %max3A_89 = arith.maximumf %add3A_86, %max3A_88 : vector<4096x128xf32>
    %dot_general3A_90 = arith.constant dense<0.000000e+00> : vector<4096x128xf32>
    %dot_general3A_91 = tpu.matmul %max3A_89, %get3A_10, %dot_general3A_90 {dimension_numbers = #tpu.dot_dimension_numbers<[1], [0], [0], [1], [0, 0, 1, 1], [], []>, transpose_lhs_hint = false} : vector<4096x128xf32>, vector<128x128xf32>, vector<4096x128xf32> -> vector<4096x128xf32>
    %add3A_92 = vector.broadcast %get3A_13 : vector<1x128xf32> to vector<4096x128xf32>
    %add3A_93 = arith.addf %dot_general3A_91, %add3A_92 : vector<4096x128xf32>
    %max3A_94 = arith.constant 0.000000e+00 : f32
    %max3A_95 = vector.broadcast %max3A_94 : f32 to vector<4096x128xf32>
    %max3A_96 = arith.maximumf %add3A_93, %max3A_95 : vector<4096x128xf32>
    %dot_general3A_97 = arith.constant dense<0.000000e+00> : vector<4096x16xf32>
    %dot_general3A_98 = tpu.matmul %max3A_96, %get3A_16, %dot_general3A_97 {dimension_numbers = #tpu.dot_dimension_numbers<[1], [0], [0], [1], [0, 0, 1, 1], [], []>, transpose_lhs_hint = false} : vector<4096x128xf32>, vector<128x16xf32>, vector<4096x16xf32> -> vector<4096x16xf32>
    %add3A_99 = vector.broadcast %get3A_19 : vector<1x16xf32> to vector<4096x16xf32>
    %add3A_100 = arith.addf %dot_general3A_98, %add3A_99 : vector<4096x16xf32>
    %max3A_101 = arith.constant 0.000000e+00 : f32
    %max3A_102 = vector.broadcast %max3A_101 : f32 to vector<4096x16xf32>
    %max3A_103 = arith.maximumf %add3A_100, %max3A_102 : vector<4096x16xf32>
    %add3A_104 = arith.addf %add3A_74, %max3A_103 : vector<4096x16xf32>
    %mul3A = arith.constant 0.333333343 : f32
    %mul3A_105 = vector.broadcast %mul3A : f32 to vector<4096x16xf32>
    %mul3A_106 = arith.mulf %add3A_104, %mul3A_105 : vector<4096x16xf32>
    %swap3A = arith.constant 0 : index
    %swap3A_107 = arith.constant 0 : index
    %swap3A_108 = vector.load %arg9[%swap3A, %swap3A_107] : memref<4096x16xf32, #tpu.memory_space<vmem>>, vector<4096x16xf32>
    tpu.vector_store %arg9[%swap3A, %swap3A_107], %mul3A_106 {strides = array<i32>} : memref<4096x16xf32, #tpu.memory_space<vmem>>, vector<4096x16xf32>,
    %slice3A_109 = vector.extract_strided_slice %mul3A_106 {offsets = [0, 0], sizes = [512, 16], strides = [1, 1]} : vector<4096x16xf32> to vector<512x16xf32>
    %transpose3A = tpu.transpose %slice3A_109, [1, 0] : vector<512x16xf32> -> vector<16x512xf32>
    %swap3A_110 = arith.constant 0 : index
    %swap3A_111 = arith.constant 0 : index
    %swap3A_112 = arith.constant 0 : index
    %swap3A_113 = vector.load %arg10[%swap3A_110, %swap3A_111, %swap3A_112] : memref<8x16x512xf32, #tpu.memory_space<vmem>>, vector<1x16x512xf32>
    %swap3A_114 = vector.shape_cast %swap3A_113 : vector<1x16x512xf32> to vector<16x512xf32>
    %swap3A_115 = vector.shape_cast %transpose3A : vector<16x512xf32> to vector<1x16x512xf32>
    tpu.vector_store %arg10[%swap3A_110, %swap3A_111, %swap3A_112], %swap3A_115 {strides = array<i32>} : memref<8x16x512xf32, #tpu.memory_space<vmem>>, vector<1x16x512xf32>,
    %slice3A_116 = vector.extract_strided_slice %mul3A_106 {offsets = [512, 0], sizes = [512, 16], strides = [1, 1]} : vector<4096x16xf32> to vector<512x16xf32>
    %transpose3A_117 = tpu.transpose %slice3A_116, [1, 0] : vector<512x16xf32> -> vector<16x512xf32>
    %swap3A_118 = arith.constant 1 : index
    %swap3A_119 = arith.constant 0 : index
    %swap3A_120 = arith.constant 0 : index
    %swap3A_121 = vector.load %arg10[%swap3A_118, %swap3A_119, %swap3A_120] : memref<8x16x512xf32, #tpu.memory_space<vmem>>, vector<1x16x512xf32>
    %swap3A_122 = vector.shape_cast %swap3A_121 : vector<1x16x512xf32> to vector<16x512xf32>
    %swap3A_123 = vector.shape_cast %transpose3A_117 : vector<16x512xf32> to vector<1x16x512xf32>
    tpu.vector_store %arg10[%swap3A_118, %swap3A_119, %swap3A_120], %swap3A_123 {strides = array<i32>} : memref<8x16x512xf32, #tpu.memory_space<vmem>>, vector<1x16x512xf32>,
    %slice3A_124 = vector.extract_strided_slice %mul3A_106 {offsets = [1024, 0], sizes = [512, 16], strides = [1, 1]} : vector<4096x16xf32> to vector<512x16xf32>
    %transpose3A_125 = tpu.transpose %slice3A_124, [1, 0] : vector<512x16xf32> -> vector<16x512xf32>
    %swap3A_126 = arith.constant 2 : index
    %swap3A_127 = arith.constant 0 : index
    %swap3A_128 = arith.constant 0 : index
    %swap3A_129 = vector.load %arg10[%swap3A_126, %swap3A_127, %swap3A_128] : memref<8x16x512xf32, #tpu.memory_space<vmem>>, vector<1x16x512xf32>
    %swap3A_130 = vector.shape_cast %swap3A_129 : vector<1x16x512xf32> to vector<16x512xf32>
    %swap3A_131 = vector.shape_cast %transpose3A_125 : vector<16x512xf32> to vector<1x16x512xf32>
    tpu.vector_store %arg10[%swap3A_126, %swap3A_127, %swap3A_128], %swap3A_131 {strides = array<i32>} : memref<8x16x512xf32, #tpu.memory_space<vmem>>, vector<1x16x512xf32>,
    %slice3A_132 = vector.extract_strided_slice %mul3A_106 {offsets = [1536, 0], sizes = [512, 16], strides = [1, 1]} : vector<4096x16xf32> to vector<512x16xf32>
    %transpose3A_133 = tpu.transpose %slice3A_132, [1, 0] : vector<512x16xf32> -> vector<16x512xf32>
    %swap3A_134 = arith.constant 3 : index
    %swap3A_135 = arith.constant 0 : index
    %swap3A_136 = arith.constant 0 : index
    %swap3A_137 = vector.load %arg10[%swap3A_134, %swap3A_135, %swap3A_136] : memref<8x16x512xf32, #tpu.memory_space<vmem>>, vector<1x16x512xf32>
    %swap3A_138 = vector.shape_cast %swap3A_137 : vector<1x16x512xf32> to vector<16x512xf32>
    %swap3A_139 = vector.shape_cast %transpose3A_133 : vector<16x512xf32> to vector<1x16x512xf32>
    tpu.vector_store %arg10[%swap3A_134, %swap3A_135, %swap3A_136], %swap3A_139 {strides = array<i32>} : memref<8x16x512xf32, #tpu.memory_space<vmem>>, vector<1x16x512xf32>,
    %slice3A_140 = vector.extract_strided_slice %mul3A_106 {offsets = [2048, 0], sizes = [512, 16], strides = [1, 1]} : vector<4096x16xf32> to vector<512x16xf32>
    %transpose3A_141 = tpu.transpose %slice3A_140, [1, 0] : vector<512x16xf32> -> vector<16x512xf32>
    %swap3A_142 = arith.constant 4 : index
    %swap3A_143 = arith.constant 0 : index
    %swap3A_144 = arith.constant 0 : index
    %swap3A_145 = vector.load %arg10[%swap3A_142, %swap3A_143, %swap3A_144] : memref<8x16x512xf32, #tpu.memory_space<vmem>>, vector<1x16x512xf32>
    %swap3A_146 = vector.shape_cast %swap3A_145 : vector<1x16x512xf32> to vector<16x512xf32>
    %swap3A_147 = vector.shape_cast %transpose3A_141 : vector<16x512xf32> to vector<1x16x512xf32>
    tpu.vector_store %arg10[%swap3A_142, %swap3A_143, %swap3A_144], %swap3A_147 {strides = array<i32>} : memref<8x16x512xf32, #tpu.memory_space<vmem>>, vector<1x16x512xf32>,
    %slice3A_148 = vector.extract_strided_slice %mul3A_106 {offsets = [2560, 0], sizes = [512, 16], strides = [1, 1]} : vector<4096x16xf32> to vector<512x16xf32>
    %transpose3A_149 = tpu.transpose %slice3A_148, [1, 0] : vector<512x16xf32> -> vector<16x512xf32>
    %swap3A_150 = arith.constant 5 : index
    %swap3A_151 = arith.constant 0 : index
    %swap3A_152 = arith.constant 0 : index
    %swap3A_153 = vector.load %arg10[%swap3A_150, %swap3A_151, %swap3A_152] : memref<8x16x512xf32, #tpu.memory_space<vmem>>, vector<1x16x512xf32>
    %swap3A_154 = vector.shape_cast %swap3A_153 : vector<1x16x512xf32> to vector<16x512xf32>
    %swap3A_155 = vector.shape_cast %transpose3A_149 : vector<16x512xf32> to vector<1x16x512xf32>
    tpu.vector_store %arg10[%swap3A_150, %swap3A_151, %swap3A_152], %swap3A_155 {strides = array<i32>} : memref<8x16x512xf32, #tpu.memory_space<vmem>>, vector<1x16x512xf32>,
    %slice3A_156 = vector.extract_strided_slice %mul3A_106 {offsets = [3072, 0], sizes = [512, 16], strides = [1, 1]} : vector<4096x16xf32> to vector<512x16xf32>
    %transpose3A_157 = tpu.transpose %slice3A_156, [1, 0] : vector<512x16xf32> -> vector<16x512xf32>
    %swap3A_158 = arith.constant 6 : index
    %swap3A_159 = arith.constant 0 : index
    %swap3A_160 = arith.constant 0 : index
    %swap3A_161 = vector.load %arg10[%swap3A_158, %swap3A_159, %swap3A_160] : memref<8x16x512xf32, #tpu.memory_space<vmem>>, vector<1x16x512xf32>
    %swap3A_162 = vector.shape_cast %swap3A_161 : vector<1x16x512xf32> to vector<16x512xf32>
    %swap3A_163 = vector.shape_cast %transpose3A_157 : vector<16x512xf32> to vector<1x16x512xf32>
    tpu.vector_store %arg10[%swap3A_158, %swap3A_159, %swap3A_160], %swap3A_163 {strides = array<i32>} : memref<8x16x512xf32, #tpu.memory_space<vmem>>, vector<1x16x512xf32>,
    %slice3A_164 = vector.extract_strided_slice %mul3A_106 {offsets = [3584, 0], sizes = [512, 16], strides = [1, 1]} : vector<4096x16xf32> to vector<512x16xf32>
    %transpose3A_165 = tpu.transpose %slice3A_164, [1, 0] : vector<512x16xf32> -> vector<16x512xf32>
    %swap3A_166 = arith.constant 7 : index
    %swap3A_167 = arith.constant 0 : index
    %swap3A_168 = arith.constant 0 : index
    %swap3A_169 = vector.load %arg10[%swap3A_166, %swap3A_167, %swap3A_168] : memref<8x16x512xf32, #tpu.memory_space<vmem>>, vector<1x16x512xf32>
    %swap3A_170 = vector.shape_cast %swap3A_169 : vector<1x16x512xf32> to vector<16x512xf32>
    %swap3A_171 = vector.shape_cast %transpose3A_165 : vector<16x512xf32> to vector<1x16x512xf32>
    tpu.vector_store %arg10[%swap3A_166, %swap3A_167, %swap3A_168], %swap3A_171 {strides = array<i32>} : memref<8x16x512xf32, #tpu.memory_space<vmem>>, vector<1x16x512xf32>,
    return
  }
  func.func @transform_0(%arg0: i32) -> (i32, i32) {
    %c0_i32 = arith.constant 0 : i32
    %c0_i32_0 = arith.constant 0 : i32
    return %arg0, %c0_i32 : i32, i32
  }
  func.func @transform_1(%arg0: i32) -> (i32, i32, i32) {
    %c0_i32 = arith.constant 0 : i32
    %c0_i32_0 = arith.constant 0 : i32
    %c0_i32_1 = arith.constant 0 : i32
    return %c0_i32, %arg0, %c0_i32_0 : i32, i32, i32
  }
  func.func @transform_2(%arg0: i32) -> (i32, i32) {
    %c0_i32 = arith.constant 0 : i32
    %c0_i32_0 = arith.constant 0 : i32
    %c0_i32_1 = arith.constant 0 : i32
    return %c0_i32, %c0_i32_0 : i32, i32
  }
  func.func @transform_3(%arg0: i32) -> (i32, i32) {
    %c0_i32 = arith.constant 0 : i32
    %c0_i32_0 = arith.constant 0 : i32
    %c0_i32_1 = arith.constant 0 : i32
    return %c0_i32, %c0_i32_0 : i32, i32
  }
  func.func @transform_4(%arg0: i32) -> (i32, i32) {
    %c0_i32 = arith.constant 0 : i32
    %c0_i32_0 = arith.constant 0 : i32
    %c0_i32_1 = arith.constant 0 : i32
    return %c0_i32, %c0_i32_0 : i32, i32
  }
  func.func @transform_5(%arg0: i32) -> (i32, i32) {
    %c0_i32 = arith.constant 0 : i32
    %c0_i32_0 = arith.constant 0 : i32
    %c0_i32_1 = arith.constant 0 : i32
    return %c0_i32, %c0_i32_0 : i32, i32
  }
  func.func @transform_6(%arg0: i32) -> (i32, i32) {
    %c0_i32 = arith.constant 0 : i32
    %c0_i32_0 = arith.constant 0 : i32
    %c0_i32_1 = arith.constant 0 : i32
    return %c0_i32, %c0_i32_0 : i32, i32
  }
  func.func @transform_7(%arg0: i32) -> (i32, i32) {
    %c0_i32 = arith.constant 0 : i32
    %c0_i32_0 = arith.constant 0 : i32
    %c0_i32_1 = arith.constant 0 : i32
    return %c0_i32, %c0_i32_0 : i32, i32
  }
  func.func @transform_8(%arg0: i32) -> (i32, i32) {
    %c0_i32 = arith.constant 0 : i32
    %c0_i32_0 = arith.constant 0 : i32
    return %arg0, %c0_i32 : i32, i32
  }
  func.func @transform_9(%arg0: i32) -> (i32, i32, i32) {
    %c0_i32 = arith.constant 0 : i32
    %c0_i32_0 = arith.constant 0 : i32
    %c0_i32_1 = arith.constant 0 : i32
    return %arg0, %c0_i32, %c0_i32_0 : i32, i32, i32
  }
}

module attributes {stable_mosaic.version = 14 : i64} {
  func.func @_knn_kernel(%arg0: i32, %arg1: memref<32xi32, #tpu.memory_space<smem>>, %arg2: memref<512x16xf32, #tpu.memory_space<vmem>>, %arg3: memref<16x16x512xf32, #tpu.memory_space<vmem>>, %arg4: memref<16x1x512xi32, #tpu.memory_space<vmem>>, %arg5: memref<512x1xi32, #tpu.memory_space<vmem>>, %arg6: memref<512x3xi32, #tpu.memory_space<vmem>>) attributes {dimension_semantics = [#tpu.dimension_semantics<arbitrary>], iteration_bounds = array<i64: 16>, scalar_prefetch = 0 : i64, scratch_operands = 0 : i64, tpu.core_type = #tpu.core_type<tc>, window_params = [{transform_indices = @transform_0, window_bounds = array<i64: 32>}, {transform_indices = @transform_1, window_bounds = array<i64: 512, 16>}, {pipeline_mode = #tpu.pipeline_mode<synchronous>, transform_indices = @transform_2, window_bounds = array<i64: 16, 16, 512>}, {pipeline_mode = #tpu.pipeline_mode<synchronous>, transform_indices = @transform_3, window_bounds = array<i64: 16, 1, 512>}, {transform_indices = @transform_4, window_bounds = array<i64: 512, 1>}, {transform_indices = @transform_5, window_bounds = array<i64: 512, 3>}]} {
    %mul3A = arith.constant 2 : i32
    %mul3A_0 = arith.muli %mul3A, %arg0 : i32
    %get3A = arith.index_cast %mul3A_0 : i32 to index
    %get3A_1 = memref.load %arg1[%get3A] : memref<32xi32, #tpu.memory_space<smem>>
    %mul3A_2 = arith.constant 2 : i32
    %mul3A_3 = arith.muli %mul3A_2, %arg0 : i32
    %add3A = arith.constant 1 : i32
    %add3A_4 = arith.addi %mul3A_3, %add3A : i32
    %get3A_5 = arith.index_cast %add3A_4 : i32 to index
    %get3A_6 = memref.load %arg1[%get3A_5] : memref<32xi32, #tpu.memory_space<smem>>
    %get3A_7 = arith.constant 0 : index
    %get3A_8 = arith.constant 0 : index
    %get3A_9 = vector.load %arg2[%get3A_7, %get3A_8] : memref<512x16xf32, #tpu.memory_space<vmem>>, vector<512x16xf32>
    %mul3A_10 = arith.mulf %get3A_9, %get3A_9 : vector<512x16xf32>
    %reduce_sum3A = arith.constant dense<0.000000e+00> : vector<512xf32>
    %reduce_sum3A_11 = vector.multi_reduction <add>, %mul3A_10, %reduce_sum3A [1] : vector<512x16xf32> to vector<512xf32>
    %broadcast_in_dim3A = vector.shape_cast %reduce_sum3A_11 : vector<512xf32> to vector<512x1xf32>
    %get3A_12 = arith.constant 0 : index
    %get3A_13 = arith.constant 0 : index
    %get3A_14 = vector.load %arg5[%get3A_12, %get3A_13] : memref<512x1xi32, #tpu.memory_space<vmem>>, vector<512x1xi32>
    %iota3A = tpu.iota {dimensions = array<i32: 1>} : vector<512x512xi32>
    %convert_element_type3A = arith.sitofp %iota3A : vector<512x512xi32> to vector<512x512xf32>
    %broadcast_in_dim3A_15 = arith.constant 0x7F800000 : f32
    %broadcast_in_dim3A_16 = vector.broadcast %broadcast_in_dim3A_15 : f32 to vector<512x1xf32>
    %broadcast_in_dim3A_17 = arith.constant 1.000000e+09 : f32
    %broadcast_in_dim3A_18 = vector.broadcast %broadcast_in_dim3A_17 : f32 to vector<512x1xf32>
    %broadcast_in_dim3A_19 = arith.constant 0x7F800000 : f32
    %broadcast_in_dim3A_20 = vector.broadcast %broadcast_in_dim3A_19 : f32 to vector<512x1xf32>
    %broadcast_in_dim3A_21 = arith.constant 1.000000e+09 : f32
    %broadcast_in_dim3A_22 = vector.broadcast %broadcast_in_dim3A_21 : f32 to vector<512x1xf32>
    %broadcast_in_dim3A_23 = arith.constant 0x7F800000 : f32
    %broadcast_in_dim3A_24 = vector.broadcast %broadcast_in_dim3A_23 : f32 to vector<512x1xf32>
    %broadcast_in_dim3A_25 = arith.constant 1.000000e+09 : f32
    %broadcast_in_dim3A_26 = vector.broadcast %broadcast_in_dim3A_25 : f32 to vector<512x1xf32>
    %while3A = arith.subi %get3A_6, %get3A_1 : i32
    %while3A_27 = arith.addi %get3A_1, %while3A : i32
    %while3A_28 = arith.constant 1 : i32
    %while3A_29 = arith.divsi %while3A, %while3A_28 : i32
    %while3A_30 = arith.muli %while3A_29, %while3A_28 : i32
    %while3A_31 = arith.addi %get3A_1, %while3A_30 : i32
    %while3A_32 = arith.constant 1 : i32
    %while3A_33:6 = scf.for %while3A_41 = %get3A_1 to %while3A_31 step %while3A_32 iter_args(%while3A_42 = %broadcast_in_dim3A_16, %while3A_43 = %broadcast_in_dim3A_18, %while3A_44 = %broadcast_in_dim3A_20, %while3A_45 = %broadcast_in_dim3A_22, %while3A_46 = %broadcast_in_dim3A_24, %while3A_47 = %broadcast_in_dim3A_26) -> (vector<512x1xf32>, vector<512x1xf32>, vector<512x1xf32>, vector<512x1xf32>, vector<512x1xf32>, vector<512x1xf32>)  : i32 {
      %get3A_48 = arith.index_cast %while3A_41 : i32 to index
      %get3A_49 = arith.constant 0 : index
      %get3A_50 = arith.constant 0 : index
      %get3A_51 = vector.load %arg3[%get3A_48, %get3A_49, %get3A_50] : memref<16x16x512xf32, #tpu.memory_space<vmem>>, vector<1x16x512xf32>
      %squeeze3A = vector.shape_cast %get3A_51 : vector<1x16x512xf32> to vector<16x512xf32>
      %get3A_52 = arith.index_cast %while3A_41 : i32 to index
      %get3A_53 = arith.constant 0 : index
      %get3A_54 = arith.constant 0 : index
      %get3A_55 = vector.load %arg4[%get3A_52, %get3A_53, %get3A_54] : memref<16x1x512xi32, #tpu.memory_space<vmem>>, vector<1x1x512xi32>
      %squeeze3A_56 = vector.shape_cast %get3A_55 : vector<1x1x512xi32> to vector<1x512xi32>
      %dot_general3A = arith.constant dense<0.000000e+00> : vector<512x512xf32>
      %dot_general3A_57 = tpu.matmul %get3A_9, %squeeze3A, %dot_general3A {dimension_numbers = #tpu.dot_dimension_numbers<[1], [0], [0], [1], [0, 0, 1, 1], [], []>, transpose_lhs_hint = false} : vector<512x16xf32>, vector<16x512xf32>, vector<512x512xf32> -> vector<512x512xf32>
      %mul3A_58 = arith.mulf %squeeze3A, %squeeze3A : vector<16x512xf32>
      %reduce_sum3A_59 = arith.constant dense<0.000000e+00> : vector<512xf32>
      %reduce_sum3A_60 = vector.multi_reduction <add>, %mul3A_58, %reduce_sum3A_59 [0] : vector<16x512xf32> to vector<512xf32>
      %broadcast_in_dim3A_61 = vector.shape_cast %reduce_sum3A_60 : vector<512xf32> to vector<1x512xf32>
      %add3A_62 = vector.broadcast %broadcast_in_dim3A : vector<512x1xf32> to vector<512x512xf32>
      %add3A_63 = vector.broadcast %broadcast_in_dim3A_61 : vector<1x512xf32> to vector<512x512xf32>
      %add3A_64 = arith.addf %add3A_62, %add3A_63 : vector<512x512xf32>
      %mul3A_65 = arith.constant 2.000000e+00 : f32
      %mul3A_66 = vector.broadcast %mul3A_65 : f32 to vector<512x512xf32>
      %mul3A_67 = arith.mulf %mul3A_66, %dot_general3A_57 : vector<512x512xf32>
      %sub3A = arith.subf %add3A_64, %mul3A_67 : vector<512x512xf32>
      %ne3A = vector.broadcast %get3A_14 : vector<512x1xi32> to vector<512x512xi32>
      %ne3A_68 = vector.broadcast %squeeze3A_56 : vector<1x512xi32> to vector<512x512xi32>
      %ne3A_69 = arith.cmpi ne, %ne3A, %ne3A_68 : vector<512x512xi32>
      %jit3A = arith.constant 0x7F800000 : f32
      %broadcast_in_dim3A_70 = vector.broadcast %jit3A : f32 to vector<512x512xf32>
      %select_n3A = arith.select %ne3A_69, %broadcast_in_dim3A_70, %sub3A : vector<512x512xi1>, vector<512x512xf32>
      %mul3A_71 = arith.constant 512 : i32
      %mul3A_72 = arith.muli %while3A_41, %mul3A_71 : i32
      %convert_element_type3A_73 = arith.sitofp %mul3A_72 : i32 to f32
      %add3A_74 = vector.broadcast %convert_element_type3A_73 : f32 to vector<512x512xf32>
      %add3A_75 = arith.addf %add3A_74, %convert_element_type3A : vector<512x512xf32>
      %reduce_min3A = arith.constant dense<0x7F800000> : vector<512xf32>
      %reduce_min3A_76 = vector.multi_reduction <minimumf>, %select_n3A, %reduce_min3A [1] : vector<512x512xf32> to vector<512xf32>
      %broadcast_in_dim3A_77 = vector.shape_cast %reduce_min3A_76 : vector<512xf32> to vector<512x1xf32>
      %eq3A = vector.broadcast %broadcast_in_dim3A_77 : vector<512x1xf32> to vector<512x512xf32>
      %eq3A_78 = arith.cmpf oeq, %select_n3A, %eq3A : vector<512x512xf32>
      %jit3A_79 = arith.constant 1.000000e+09 : f32
      %broadcast_in_dim3A_80 = vector.broadcast %jit3A_79 : f32 to vector<512x512xf32>
      %select_n3A_81 = arith.select %eq3A_78, %add3A_75, %broadcast_in_dim3A_80 : vector<512x512xi1>, vector<512x512xf32>
      %reduce_min3A_82 = arith.constant dense<0x7F800000> : vector<512xf32>
      %reduce_min3A_83 = vector.multi_reduction <minimumf>, %select_n3A_81, %reduce_min3A_82 [1] : vector<512x512xf32> to vector<512xf32>
      %broadcast_in_dim3A_84 = vector.shape_cast %reduce_min3A_83 : vector<512xf32> to vector<512x1xf32>
      %eq3A_85 = vector.broadcast %broadcast_in_dim3A_84 : vector<512x1xf32> to vector<512x512xf32>
      %eq3A_86 = arith.cmpf oeq, %add3A_75, %eq3A_85 : vector<512x512xf32>
      %jit3A_87 = arith.constant 0x7F800000 : f32
      %broadcast_in_dim3A_88 = vector.broadcast %jit3A_87 : f32 to vector<512x512xf32>
      %select_n3A_89 = arith.select %eq3A_86, %broadcast_in_dim3A_88, %select_n3A : vector<512x512xi1>, vector<512x512xf32>
      %lt3A = arith.cmpf olt, %broadcast_in_dim3A_77, %while3A_42 : vector<512x1xf32>
      %lt3A_90 = arith.cmpf olt, %broadcast_in_dim3A_77, %while3A_44 : vector<512x1xf32>
      %lt3A_91 = arith.cmpf olt, %broadcast_in_dim3A_77, %while3A_46 : vector<512x1xf32>
      %select_n3A_92 = arith.select %lt3A, %broadcast_in_dim3A_77, %while3A_42 : vector<512x1xi1>, vector<512x1xf32>
      %select_n3A_93 = arith.select %lt3A, %broadcast_in_dim3A_84, %while3A_43 : vector<512x1xi1>, vector<512x1xf32>
      %select_n3A_94 = arith.select %lt3A_90, %broadcast_in_dim3A_77, %while3A_44 : vector<512x1xi1>, vector<512x1xf32>
      %select_n3A_95 = arith.select %lt3A, %while3A_42, %select_n3A_94 : vector<512x1xi1>, vector<512x1xf32>
      %select_n3A_96 = arith.select %lt3A_90, %broadcast_in_dim3A_84, %while3A_45 : vector<512x1xi1>, vector<512x1xf32>
      %select_n3A_97 = arith.select %lt3A, %while3A_43, %select_n3A_96 : vector<512x1xi1>, vector<512x1xf32>
      %select_n3A_98 = arith.select %lt3A_91, %broadcast_in_dim3A_77, %while3A_46 : vector<512x1xi1>, vector<512x1xf32>
      %select_n3A_99 = arith.select %lt3A_90, %while3A_44, %select_n3A_98 : vector<512x1xi1>, vector<512x1xf32>
      %select_n3A_100 = arith.select %lt3A_91, %broadcast_in_dim3A_84, %while3A_47 : vector<512x1xi1>, vector<512x1xf32>
      %select_n3A_101 = arith.select %lt3A_90, %while3A_45, %select_n3A_100 : vector<512x1xi1>, vector<512x1xf32>
      %reduce_min3A_102 = arith.constant dense<0x7F800000> : vector<512xf32>
      %reduce_min3A_103 = vector.multi_reduction <minimumf>, %select_n3A_89, %reduce_min3A_102 [1] : vector<512x512xf32> to vector<512xf32>
      %broadcast_in_dim3A_104 = vector.shape_cast %reduce_min3A_103 : vector<512xf32> to vector<512x1xf32>
      %eq3A_105 = vector.broadcast %broadcast_in_dim3A_104 : vector<512x1xf32> to vector<512x512xf32>
      %eq3A_106 = arith.cmpf oeq, %select_n3A_89, %eq3A_105 : vector<512x512xf32>
      %jit3A_107 = arith.constant 1.000000e+09 : f32
      %broadcast_in_dim3A_108 = vector.broadcast %jit3A_107 : f32 to vector<512x512xf32>
      %select_n3A_109 = arith.select %eq3A_106, %add3A_75, %broadcast_in_dim3A_108 : vector<512x512xi1>, vector<512x512xf32>
      %reduce_min3A_110 = arith.constant dense<0x7F800000> : vector<512xf32>
      %reduce_min3A_111 = vector.multi_reduction <minimumf>, %select_n3A_109, %reduce_min3A_110 [1] : vector<512x512xf32> to vector<512xf32>
      %broadcast_in_dim3A_112 = vector.shape_cast %reduce_min3A_111 : vector<512xf32> to vector<512x1xf32>
      %eq3A_113 = vector.broadcast %broadcast_in_dim3A_112 : vector<512x1xf32> to vector<512x512xf32>
      %eq3A_114 = arith.cmpf oeq, %add3A_75, %eq3A_113 : vector<512x512xf32>
      %jit3A_115 = arith.constant 0x7F800000 : f32
      %broadcast_in_dim3A_116 = vector.broadcast %jit3A_115 : f32 to vector<512x512xf32>
      %select_n3A_117 = arith.select %eq3A_114, %broadcast_in_dim3A_116, %select_n3A_89 : vector<512x512xi1>, vector<512x512xf32>
      %lt3A_118 = arith.cmpf olt, %broadcast_in_dim3A_104, %select_n3A_92 : vector<512x1xf32>
      %lt3A_119 = arith.cmpf olt, %broadcast_in_dim3A_104, %select_n3A_95 : vector<512x1xf32>
      %lt3A_120 = arith.cmpf olt, %broadcast_in_dim3A_104, %select_n3A_99 : vector<512x1xf32>
      %select_n3A_121 = arith.select %lt3A_118, %broadcast_in_dim3A_104, %select_n3A_92 : vector<512x1xi1>, vector<512x1xf32>
      %select_n3A_122 = arith.select %lt3A_118, %broadcast_in_dim3A_112, %select_n3A_93 : vector<512x1xi1>, vector<512x1xf32>
      %select_n3A_123 = arith.select %lt3A_119, %broadcast_in_dim3A_104, %select_n3A_95 : vector<512x1xi1>, vector<512x1xf32>
      %select_n3A_124 = arith.select %lt3A_118, %select_n3A_92, %select_n3A_123 : vector<512x1xi1>, vector<512x1xf32>
      %select_n3A_125 = arith.select %lt3A_119, %broadcast_in_dim3A_112, %select_n3A_97 : vector<512x1xi1>, vector<512x1xf32>
      %select_n3A_126 = arith.select %lt3A_118, %select_n3A_93, %select_n3A_125 : vector<512x1xi1>, vector<512x1xf32>
      %select_n3A_127 = arith.select %lt3A_120, %broadcast_in_dim3A_104, %select_n3A_99 : vector<512x1xi1>, vector<512x1xf32>
      %select_n3A_128 = arith.select %lt3A_119, %select_n3A_95, %select_n3A_127 : vector<512x1xi1>, vector<512x1xf32>
      %select_n3A_129 = arith.select %lt3A_120, %broadcast_in_dim3A_112, %select_n3A_101 : vector<512x1xi1>, vector<512x1xf32>
      %select_n3A_130 = arith.select %lt3A_119, %select_n3A_97, %select_n3A_129 : vector<512x1xi1>, vector<512x1xf32>
      %reduce_min3A_131 = arith.constant dense<0x7F800000> : vector<512xf32>
      %reduce_min3A_132 = vector.multi_reduction <minimumf>, %select_n3A_117, %reduce_min3A_131 [1] : vector<512x512xf32> to vector<512xf32>
      %broadcast_in_dim3A_133 = vector.shape_cast %reduce_min3A_132 : vector<512xf32> to vector<512x1xf32>
      %eq3A_134 = vector.broadcast %broadcast_in_dim3A_133 : vector<512x1xf32> to vector<512x512xf32>
      %eq3A_135 = arith.cmpf oeq, %select_n3A_117, %eq3A_134 : vector<512x512xf32>
      %jit3A_136 = arith.constant 1.000000e+09 : f32
      %broadcast_in_dim3A_137 = vector.broadcast %jit3A_136 : f32 to vector<512x512xf32>
      %select_n3A_138 = arith.select %eq3A_135, %add3A_75, %broadcast_in_dim3A_137 : vector<512x512xi1>, vector<512x512xf32>
      %reduce_min3A_139 = arith.constant dense<0x7F800000> : vector<512xf32>
      %reduce_min3A_140 = vector.multi_reduction <minimumf>, %select_n3A_138, %reduce_min3A_139 [1] : vector<512x512xf32> to vector<512xf32>
      %broadcast_in_dim3A_141 = vector.shape_cast %reduce_min3A_140 : vector<512xf32> to vector<512x1xf32>
      %eq3A_142 = vector.broadcast %broadcast_in_dim3A_141 : vector<512x1xf32> to vector<512x512xf32>
      %eq3A_143 = arith.cmpf oeq, %add3A_75, %eq3A_142 : vector<512x512xf32>
      %jit3A_144 = arith.constant 0x7F800000 : f32
      %broadcast_in_dim3A_145 = vector.broadcast %jit3A_144 : f32 to vector<512x512xf32>
      %select_n3A_146 = arith.select %eq3A_143, %broadcast_in_dim3A_145, %select_n3A_117 : vector<512x512xi1>, vector<512x512xf32>
      %lt3A_147 = arith.cmpf olt, %broadcast_in_dim3A_133, %select_n3A_121 : vector<512x1xf32>
      %lt3A_148 = arith.cmpf olt, %broadcast_in_dim3A_133, %select_n3A_124 : vector<512x1xf32>
      %lt3A_149 = arith.cmpf olt, %broadcast_in_dim3A_133, %select_n3A_128 : vector<512x1xf32>
      %select_n3A_150 = arith.select %lt3A_147, %broadcast_in_dim3A_133, %select_n3A_121 : vector<512x1xi1>, vector<512x1xf32>
      %select_n3A_151 = arith.select %lt3A_147, %broadcast_in_dim3A_141, %select_n3A_122 : vector<512x1xi1>, vector<512x1xf32>
      %select_n3A_152 = arith.select %lt3A_148, %broadcast_in_dim3A_133, %select_n3A_124 : vector<512x1xi1>, vector<512x1xf32>
      %select_n3A_153 = arith.select %lt3A_147, %select_n3A_121, %select_n3A_152 : vector<512x1xi1>, vector<512x1xf32>
      %select_n3A_154 = arith.select %lt3A_148, %broadcast_in_dim3A_141, %select_n3A_126 : vector<512x1xi1>, vector<512x1xf32>
      %select_n3A_155 = arith.select %lt3A_147, %select_n3A_122, %select_n3A_154 : vector<512x1xi1>, vector<512x1xf32>
      %select_n3A_156 = arith.select %lt3A_149, %broadcast_in_dim3A_133, %select_n3A_128 : vector<512x1xi1>, vector<512x1xf32>
      %select_n3A_157 = arith.select %lt3A_148, %select_n3A_124, %select_n3A_156 : vector<512x1xi1>, vector<512x1xf32>
      %select_n3A_158 = arith.select %lt3A_149, %broadcast_in_dim3A_141, %select_n3A_130 : vector<512x1xi1>, vector<512x1xf32>
      %select_n3A_159 = arith.select %lt3A_148, %select_n3A_126, %select_n3A_158 : vector<512x1xi1>, vector<512x1xf32>
      scf.yield %select_n3A_150, %select_n3A_151, %select_n3A_153, %select_n3A_155, %select_n3A_157, %select_n3A_159 : vector<512x1xf32>, vector<512x1xf32>, vector<512x1xf32>, vector<512x1xf32>, vector<512x1xf32>, vector<512x1xf32>
    }
    %while3A_34 = arith.constant 1 : i32
    %while3A_35:6 = scf.for %while3A_41 = %while3A_31 to %while3A_27 step %while3A_34 iter_args(%while3A_42 = %while3A_33#0, %while3A_43 = %while3A_33#1, %while3A_44 = %while3A_33#2, %while3A_45 = %while3A_33#3, %while3A_46 = %while3A_33#4, %while3A_47 = %while3A_33#5) -> (vector<512x1xf32>, vector<512x1xf32>, vector<512x1xf32>, vector<512x1xf32>, vector<512x1xf32>, vector<512x1xf32>)  : i32 {
      %get3A_48 = arith.index_cast %while3A_41 : i32 to index
      %get3A_49 = arith.constant 0 : index
      %get3A_50 = arith.constant 0 : index
      %get3A_51 = vector.load %arg3[%get3A_48, %get3A_49, %get3A_50] : memref<16x16x512xf32, #tpu.memory_space<vmem>>, vector<1x16x512xf32>
      %squeeze3A = vector.shape_cast %get3A_51 : vector<1x16x512xf32> to vector<16x512xf32>
      %get3A_52 = arith.index_cast %while3A_41 : i32 to index
      %get3A_53 = arith.constant 0 : index
      %get3A_54 = arith.constant 0 : index
      %get3A_55 = vector.load %arg4[%get3A_52, %get3A_53, %get3A_54] : memref<16x1x512xi32, #tpu.memory_space<vmem>>, vector<1x1x512xi32>
      %squeeze3A_56 = vector.shape_cast %get3A_55 : vector<1x1x512xi32> to vector<1x512xi32>
      %dot_general3A = arith.constant dense<0.000000e+00> : vector<512x512xf32>
      %dot_general3A_57 = tpu.matmul %get3A_9, %squeeze3A, %dot_general3A {dimension_numbers = #tpu.dot_dimension_numbers<[1], [0], [0], [1], [0, 0, 1, 1], [], []>, transpose_lhs_hint = false} : vector<512x16xf32>, vector<16x512xf32>, vector<512x512xf32> -> vector<512x512xf32>
      %mul3A_58 = arith.mulf %squeeze3A, %squeeze3A : vector<16x512xf32>
      %reduce_sum3A_59 = arith.constant dense<0.000000e+00> : vector<512xf32>
      %reduce_sum3A_60 = vector.multi_reduction <add>, %mul3A_58, %reduce_sum3A_59 [0] : vector<16x512xf32> to vector<512xf32>
      %broadcast_in_dim3A_61 = vector.shape_cast %reduce_sum3A_60 : vector<512xf32> to vector<1x512xf32>
      %add3A_62 = vector.broadcast %broadcast_in_dim3A : vector<512x1xf32> to vector<512x512xf32>
      %add3A_63 = vector.broadcast %broadcast_in_dim3A_61 : vector<1x512xf32> to vector<512x512xf32>
      %add3A_64 = arith.addf %add3A_62, %add3A_63 : vector<512x512xf32>
      %mul3A_65 = arith.constant 2.000000e+00 : f32
      %mul3A_66 = vector.broadcast %mul3A_65 : f32 to vector<512x512xf32>
      %mul3A_67 = arith.mulf %mul3A_66, %dot_general3A_57 : vector<512x512xf32>
      %sub3A = arith.subf %add3A_64, %mul3A_67 : vector<512x512xf32>
      %ne3A = vector.broadcast %get3A_14 : vector<512x1xi32> to vector<512x512xi32>
      %ne3A_68 = vector.broadcast %squeeze3A_56 : vector<1x512xi32> to vector<512x512xi32>
      %ne3A_69 = arith.cmpi ne, %ne3A, %ne3A_68 : vector<512x512xi32>
      %jit3A = arith.constant 0x7F800000 : f32
      %broadcast_in_dim3A_70 = vector.broadcast %jit3A : f32 to vector<512x512xf32>
      %select_n3A = arith.select %ne3A_69, %broadcast_in_dim3A_70, %sub3A : vector<512x512xi1>, vector<512x512xf32>
      %mul3A_71 = arith.constant 512 : i32
      %mul3A_72 = arith.muli %while3A_41, %mul3A_71 : i32
      %convert_element_type3A_73 = arith.sitofp %mul3A_72 : i32 to f32
      %add3A_74 = vector.broadcast %convert_element_type3A_73 : f32 to vector<512x512xf32>
      %add3A_75 = arith.addf %add3A_74, %convert_element_type3A : vector<512x512xf32>
      %reduce_min3A = arith.constant dense<0x7F800000> : vector<512xf32>
      %reduce_min3A_76 = vector.multi_reduction <minimumf>, %select_n3A, %reduce_min3A [1] : vector<512x512xf32> to vector<512xf32>
      %broadcast_in_dim3A_77 = vector.shape_cast %reduce_min3A_76 : vector<512xf32> to vector<512x1xf32>
      %eq3A = vector.broadcast %broadcast_in_dim3A_77 : vector<512x1xf32> to vector<512x512xf32>
      %eq3A_78 = arith.cmpf oeq, %select_n3A, %eq3A : vector<512x512xf32>
      %jit3A_79 = arith.constant 1.000000e+09 : f32
      %broadcast_in_dim3A_80 = vector.broadcast %jit3A_79 : f32 to vector<512x512xf32>
      %select_n3A_81 = arith.select %eq3A_78, %add3A_75, %broadcast_in_dim3A_80 : vector<512x512xi1>, vector<512x512xf32>
      %reduce_min3A_82 = arith.constant dense<0x7F800000> : vector<512xf32>
      %reduce_min3A_83 = vector.multi_reduction <minimumf>, %select_n3A_81, %reduce_min3A_82 [1] : vector<512x512xf32> to vector<512xf32>
      %broadcast_in_dim3A_84 = vector.shape_cast %reduce_min3A_83 : vector<512xf32> to vector<512x1xf32>
      %eq3A_85 = vector.broadcast %broadcast_in_dim3A_84 : vector<512x1xf32> to vector<512x512xf32>
      %eq3A_86 = arith.cmpf oeq, %add3A_75, %eq3A_85 : vector<512x512xf32>
      %jit3A_87 = arith.constant 0x7F800000 : f32
      %broadcast_in_dim3A_88 = vector.broadcast %jit3A_87 : f32 to vector<512x512xf32>
      %select_n3A_89 = arith.select %eq3A_86, %broadcast_in_dim3A_88, %select_n3A : vector<512x512xi1>, vector<512x512xf32>
      %lt3A = arith.cmpf olt, %broadcast_in_dim3A_77, %while3A_42 : vector<512x1xf32>
      %lt3A_90 = arith.cmpf olt, %broadcast_in_dim3A_77, %while3A_44 : vector<512x1xf32>
      %lt3A_91 = arith.cmpf olt, %broadcast_in_dim3A_77, %while3A_46 : vector<512x1xf32>
      %select_n3A_92 = arith.select %lt3A, %broadcast_in_dim3A_77, %while3A_42 : vector<512x1xi1>, vector<512x1xf32>
      %select_n3A_93 = arith.select %lt3A, %broadcast_in_dim3A_84, %while3A_43 : vector<512x1xi1>, vector<512x1xf32>
      %select_n3A_94 = arith.select %lt3A_90, %broadcast_in_dim3A_77, %while3A_44 : vector<512x1xi1>, vector<512x1xf32>
      %select_n3A_95 = arith.select %lt3A, %while3A_42, %select_n3A_94 : vector<512x1xi1>, vector<512x1xf32>
      %select_n3A_96 = arith.select %lt3A_90, %broadcast_in_dim3A_84, %while3A_45 : vector<512x1xi1>, vector<512x1xf32>
      %select_n3A_97 = arith.select %lt3A, %while3A_43, %select_n3A_96 : vector<512x1xi1>, vector<512x1xf32>
      %select_n3A_98 = arith.select %lt3A_91, %broadcast_in_dim3A_77, %while3A_46 : vector<512x1xi1>, vector<512x1xf32>
      %select_n3A_99 = arith.select %lt3A_90, %while3A_44, %select_n3A_98 : vector<512x1xi1>, vector<512x1xf32>
      %select_n3A_100 = arith.select %lt3A_91, %broadcast_in_dim3A_84, %while3A_47 : vector<512x1xi1>, vector<512x1xf32>
      %select_n3A_101 = arith.select %lt3A_90, %while3A_45, %select_n3A_100 : vector<512x1xi1>, vector<512x1xf32>
      %reduce_min3A_102 = arith.constant dense<0x7F800000> : vector<512xf32>
      %reduce_min3A_103 = vector.multi_reduction <minimumf>, %select_n3A_89, %reduce_min3A_102 [1] : vector<512x512xf32> to vector<512xf32>
      %broadcast_in_dim3A_104 = vector.shape_cast %reduce_min3A_103 : vector<512xf32> to vector<512x1xf32>
      %eq3A_105 = vector.broadcast %broadcast_in_dim3A_104 : vector<512x1xf32> to vector<512x512xf32>
      %eq3A_106 = arith.cmpf oeq, %select_n3A_89, %eq3A_105 : vector<512x512xf32>
      %jit3A_107 = arith.constant 1.000000e+09 : f32
      %broadcast_in_dim3A_108 = vector.broadcast %jit3A_107 : f32 to vector<512x512xf32>
      %select_n3A_109 = arith.select %eq3A_106, %add3A_75, %broadcast_in_dim3A_108 : vector<512x512xi1>, vector<512x512xf32>
      %reduce_min3A_110 = arith.constant dense<0x7F800000> : vector<512xf32>
      %reduce_min3A_111 = vector.multi_reduction <minimumf>, %select_n3A_109, %reduce_min3A_110 [1] : vector<512x512xf32> to vector<512xf32>
      %broadcast_in_dim3A_112 = vector.shape_cast %reduce_min3A_111 : vector<512xf32> to vector<512x1xf32>
      %eq3A_113 = vector.broadcast %broadcast_in_dim3A_112 : vector<512x1xf32> to vector<512x512xf32>
      %eq3A_114 = arith.cmpf oeq, %add3A_75, %eq3A_113 : vector<512x512xf32>
      %jit3A_115 = arith.constant 0x7F800000 : f32
      %broadcast_in_dim3A_116 = vector.broadcast %jit3A_115 : f32 to vector<512x512xf32>
      %select_n3A_117 = arith.select %eq3A_114, %broadcast_in_dim3A_116, %select_n3A_89 : vector<512x512xi1>, vector<512x512xf32>
      %lt3A_118 = arith.cmpf olt, %broadcast_in_dim3A_104, %select_n3A_92 : vector<512x1xf32>
      %lt3A_119 = arith.cmpf olt, %broadcast_in_dim3A_104, %select_n3A_95 : vector<512x1xf32>
      %lt3A_120 = arith.cmpf olt, %broadcast_in_dim3A_104, %select_n3A_99 : vector<512x1xf32>
      %select_n3A_121 = arith.select %lt3A_118, %broadcast_in_dim3A_104, %select_n3A_92 : vector<512x1xi1>, vector<512x1xf32>
      %select_n3A_122 = arith.select %lt3A_118, %broadcast_in_dim3A_112, %select_n3A_93 : vector<512x1xi1>, vector<512x1xf32>
      %select_n3A_123 = arith.select %lt3A_119, %broadcast_in_dim3A_104, %select_n3A_95 : vector<512x1xi1>, vector<512x1xf32>
      %select_n3A_124 = arith.select %lt3A_118, %select_n3A_92, %select_n3A_123 : vector<512x1xi1>, vector<512x1xf32>
      %select_n3A_125 = arith.select %lt3A_119, %broadcast_in_dim3A_112, %select_n3A_97 : vector<512x1xi1>, vector<512x1xf32>
      %select_n3A_126 = arith.select %lt3A_118, %select_n3A_93, %select_n3A_125 : vector<512x1xi1>, vector<512x1xf32>
      %select_n3A_127 = arith.select %lt3A_120, %broadcast_in_dim3A_104, %select_n3A_99 : vector<512x1xi1>, vector<512x1xf32>
      %select_n3A_128 = arith.select %lt3A_119, %select_n3A_95, %select_n3A_127 : vector<512x1xi1>, vector<512x1xf32>
      %select_n3A_129 = arith.select %lt3A_120, %broadcast_in_dim3A_112, %select_n3A_101 : vector<512x1xi1>, vector<512x1xf32>
      %select_n3A_130 = arith.select %lt3A_119, %select_n3A_97, %select_n3A_129 : vector<512x1xi1>, vector<512x1xf32>
      %reduce_min3A_131 = arith.constant dense<0x7F800000> : vector<512xf32>
      %reduce_min3A_132 = vector.multi_reduction <minimumf>, %select_n3A_117, %reduce_min3A_131 [1] : vector<512x512xf32> to vector<512xf32>
      %broadcast_in_dim3A_133 = vector.shape_cast %reduce_min3A_132 : vector<512xf32> to vector<512x1xf32>
      %eq3A_134 = vector.broadcast %broadcast_in_dim3A_133 : vector<512x1xf32> to vector<512x512xf32>
      %eq3A_135 = arith.cmpf oeq, %select_n3A_117, %eq3A_134 : vector<512x512xf32>
      %jit3A_136 = arith.constant 1.000000e+09 : f32
      %broadcast_in_dim3A_137 = vector.broadcast %jit3A_136 : f32 to vector<512x512xf32>
      %select_n3A_138 = arith.select %eq3A_135, %add3A_75, %broadcast_in_dim3A_137 : vector<512x512xi1>, vector<512x512xf32>
      %reduce_min3A_139 = arith.constant dense<0x7F800000> : vector<512xf32>
      %reduce_min3A_140 = vector.multi_reduction <minimumf>, %select_n3A_138, %reduce_min3A_139 [1] : vector<512x512xf32> to vector<512xf32>
      %broadcast_in_dim3A_141 = vector.shape_cast %reduce_min3A_140 : vector<512xf32> to vector<512x1xf32>
      %eq3A_142 = vector.broadcast %broadcast_in_dim3A_141 : vector<512x1xf32> to vector<512x512xf32>
      %eq3A_143 = arith.cmpf oeq, %add3A_75, %eq3A_142 : vector<512x512xf32>
      %jit3A_144 = arith.constant 0x7F800000 : f32
      %broadcast_in_dim3A_145 = vector.broadcast %jit3A_144 : f32 to vector<512x512xf32>
      %select_n3A_146 = arith.select %eq3A_143, %broadcast_in_dim3A_145, %select_n3A_117 : vector<512x512xi1>, vector<512x512xf32>
      %lt3A_147 = arith.cmpf olt, %broadcast_in_dim3A_133, %select_n3A_121 : vector<512x1xf32>
      %lt3A_148 = arith.cmpf olt, %broadcast_in_dim3A_133, %select_n3A_124 : vector<512x1xf32>
      %lt3A_149 = arith.cmpf olt, %broadcast_in_dim3A_133, %select_n3A_128 : vector<512x1xf32>
      %select_n3A_150 = arith.select %lt3A_147, %broadcast_in_dim3A_133, %select_n3A_121 : vector<512x1xi1>, vector<512x1xf32>
      %select_n3A_151 = arith.select %lt3A_147, %broadcast_in_dim3A_141, %select_n3A_122 : vector<512x1xi1>, vector<512x1xf32>
      %select_n3A_152 = arith.select %lt3A_148, %broadcast_in_dim3A_133, %select_n3A_124 : vector<512x1xi1>, vector<512x1xf32>
      %select_n3A_153 = arith.select %lt3A_147, %select_n3A_121, %select_n3A_152 : vector<512x1xi1>, vector<512x1xf32>
      %select_n3A_154 = arith.select %lt3A_148, %broadcast_in_dim3A_141, %select_n3A_126 : vector<512x1xi1>, vector<512x1xf32>
      %select_n3A_155 = arith.select %lt3A_147, %select_n3A_122, %select_n3A_154 : vector<512x1xi1>, vector<512x1xf32>
      %select_n3A_156 = arith.select %lt3A_149, %broadcast_in_dim3A_133, %select_n3A_128 : vector<512x1xi1>, vector<512x1xf32>
      %select_n3A_157 = arith.select %lt3A_148, %select_n3A_124, %select_n3A_156 : vector<512x1xi1>, vector<512x1xf32>
      %select_n3A_158 = arith.select %lt3A_149, %broadcast_in_dim3A_141, %select_n3A_130 : vector<512x1xi1>, vector<512x1xf32>
      %select_n3A_159 = arith.select %lt3A_148, %select_n3A_126, %select_n3A_158 : vector<512x1xi1>, vector<512x1xf32>
      scf.yield %select_n3A_150, %select_n3A_151, %select_n3A_153, %select_n3A_155, %select_n3A_157, %select_n3A_159 : vector<512x1xf32>, vector<512x1xf32>, vector<512x1xf32>, vector<512x1xf32>, vector<512x1xf32>, vector<512x1xf32>
    }
    %concatenate3A = tpu.concatenate %while3A_35#1, %while3A_35#3, %while3A_35#5 in 1 : vector<512x1xf32>, vector<512x1xf32>, vector<512x1xf32> -> vector<512x3xf32>
    %min3A = arith.constant 8.191000e+03 : f32
    %min3A_36 = vector.broadcast %min3A : f32 to vector<512x3xf32>
    %min3A_37 = arith.minimumf %concatenate3A, %min3A_36 : vector<512x3xf32>
    %convert_element_type3A_38 = arith.fptosi %min3A_37 : vector<512x3xf32> to vector<512x3xi32>
    %swap3A = arith.constant 0 : index
    %swap3A_39 = arith.constant 0 : index
    %swap3A_40 = vector.load %arg6[%swap3A, %swap3A_39] : memref<512x3xi32, #tpu.memory_space<vmem>>, vector<512x3xi32>
    tpu.vector_store %arg6[%swap3A, %swap3A_39], %convert_element_type3A_38 {strides = array<i32>} : memref<512x3xi32, #tpu.memory_space<vmem>>, vector<512x3xi32>,
    return
  }
  func.func @transform_0(%arg0: i32) -> i32 {
    %c0_i32 = arith.constant 0 : i32
    %c0_i32_0 = arith.constant 0 : i32
    return %c0_i32 : i32
  }
  func.func @transform_1(%arg0: i32) -> (i32, i32) {
    %c0_i32 = arith.constant 0 : i32
    %c0_i32_0 = arith.constant 0 : i32
    return %arg0, %c0_i32 : i32, i32
  }
  func.func @transform_2(%arg0: i32) -> (i32, i32, i32) {
    %c0_i32 = arith.constant 0 : i32
    %c0_i32_0 = arith.constant 0 : i32
    %c0_i32_1 = arith.constant 0 : i32
    %c0_i32_2 = arith.constant 0 : i32
    return %c0_i32, %c0_i32_0, %c0_i32_1 : i32, i32, i32
  }
  func.func @transform_3(%arg0: i32) -> (i32, i32, i32) {
    %c0_i32 = arith.constant 0 : i32
    %c0_i32_0 = arith.constant 0 : i32
    %c0_i32_1 = arith.constant 0 : i32
    %c0_i32_2 = arith.constant 0 : i32
    return %c0_i32, %c0_i32_0, %c0_i32_1 : i32, i32, i32
  }
  func.func @transform_4(%arg0: i32) -> (i32, i32) {
    %c0_i32 = arith.constant 0 : i32
    %c0_i32_0 = arith.constant 0 : i32
    return %arg0, %c0_i32 : i32, i32
  }
  func.func @transform_5(%arg0: i32) -> (i32, i32) {
    %c0_i32 = arith.constant 0 : i32
    %c0_i32_0 = arith.constant 0 : i32
    return %arg0, %c0_i32 : i32, i32
  }
}

module attributes {stable_mosaic.version = 14 : i64} {
  func.func @_dec_kernel(%arg0: i32, %arg1: memref<4096x16xf32, #tpu.memory_space<vmem>>, %arg2: memref<3x4096x16xf32, #tpu.memory_space<vmem>>, %arg3: memref<32x128xf32, #tpu.memory_space<vmem>>, %arg4: memref<1x128xf32, #tpu.memory_space<vmem>>, %arg5: memref<128x128xf32, #tpu.memory_space<vmem>>, %arg6: memref<1x128xf32, #tpu.memory_space<vmem>>, %arg7: memref<128x4xf32, #tpu.memory_space<vmem>>, %arg8: memref<1x4xf32, #tpu.memory_space<vmem>>, %arg9: memref<4096x4xf32, #tpu.memory_space<vmem>>) attributes {dimension_semantics = [#tpu.dimension_semantics<arbitrary>], iteration_bounds = array<i64: 2>, scalar_prefetch = 0 : i64, scratch_operands = 0 : i64, tpu.core_type = #tpu.core_type<tc>, window_params = [{transform_indices = @transform_0, window_bounds = array<i64: 4096, 16>}, {transform_indices = @transform_1, window_bounds = array<i64: 3, 4096, 16>}, {pipeline_mode = #tpu.pipeline_mode<synchronous>, transform_indices = @transform_2, window_bounds = array<i64: 32, 128>}, {pipeline_mode = #tpu.pipeline_mode<synchronous>, transform_indices = @transform_3, window_bounds = array<i64: 1, 128>}, {pipeline_mode = #tpu.pipeline_mode<synchronous>, transform_indices = @transform_4, window_bounds = array<i64: 128, 128>}, {pipeline_mode = #tpu.pipeline_mode<synchronous>, transform_indices = @transform_5, window_bounds = array<i64: 1, 128>}, {pipeline_mode = #tpu.pipeline_mode<synchronous>, transform_indices = @transform_6, window_bounds = array<i64: 128, 4>}, {pipeline_mode = #tpu.pipeline_mode<synchronous>, transform_indices = @transform_7, window_bounds = array<i64: 1, 4>}, {transform_indices = @transform_8, window_bounds = array<i64: 4096, 4>}]} {
    %get3A = arith.constant 0 : index
    %get3A_0 = arith.constant 0 : index
    %get3A_1 = vector.load %arg1[%get3A, %get3A_0] : memref<4096x16xf32, #tpu.memory_space<vmem>>, vector<4096x16xf32>
    %get3A_2 = arith.constant 0 : index
    %get3A_3 = arith.constant 0 : index
    %get3A_4 = vector.load %arg3[%get3A_2, %get3A_3] : memref<32x128xf32, #tpu.memory_space<vmem>>, vector<32x128xf32>
    %get3A_5 = arith.constant 0 : index
    %get3A_6 = arith.constant 0 : index
    %get3A_7 = vector.load %arg4[%get3A_5, %get3A_6] : memref<1x128xf32, #tpu.memory_space<vmem>>, vector<1x128xf32>
    %get3A_8 = arith.constant 0 : index
    %get3A_9 = arith.constant 0 : index
    %get3A_10 = vector.load %arg5[%get3A_8, %get3A_9] : memref<128x128xf32, #tpu.memory_space<vmem>>, vector<128x128xf32>
    %get3A_11 = arith.constant 0 : index
    %get3A_12 = arith.constant 0 : index
    %get3A_13 = vector.load %arg6[%get3A_11, %get3A_12] : memref<1x128xf32, #tpu.memory_space<vmem>>, vector<1x128xf32>
    %get3A_14 = arith.constant 0 : index
    %get3A_15 = arith.constant 0 : index
    %get3A_16 = vector.load %arg7[%get3A_14, %get3A_15] : memref<128x4xf32, #tpu.memory_space<vmem>>, vector<128x4xf32>
    %get3A_17 = arith.constant 0 : index
    %get3A_18 = arith.constant 0 : index
    %get3A_19 = vector.load %arg8[%get3A_17, %get3A_18] : memref<1x4xf32, #tpu.memory_space<vmem>>, vector<1x4xf32>
    %broadcast_in_dim3A = arith.constant 0.000000e+00 : f32
    %broadcast_in_dim3A_20 = vector.broadcast %broadcast_in_dim3A : f32 to vector<4096x128xf32>
    %get3A_21 = arith.constant 0 : index
    %get3A_22 = arith.constant 0 : index
    %get3A_23 = arith.constant 0 : index
    %get3A_24 = vector.load %arg2[%get3A_21, %get3A_22, %get3A_23] : memref<3x4096x16xf32, #tpu.memory_space<vmem>>, vector<1x4096x16xf32>
    %get3A_25 = vector.shape_cast %get3A_24 : vector<1x4096x16xf32> to vector<4096x16xf32>
    %sub3A = arith.subf %get3A_25, %get3A_1 : vector<4096x16xf32>
    %concatenate3A = tpu.concatenate %get3A_1, %sub3A in 1 : vector<4096x16xf32>, vector<4096x16xf32> -> vector<4096x32xf32>
    %dot_general3A = arith.constant dense<0.000000e+00> : vector<4096x128xf32>
    %dot_general3A_26 = tpu.matmul %concatenate3A, %get3A_4, %dot_general3A {dimension_numbers = #tpu.dot_dimension_numbers<[1], [0], [0], [1], [0, 0, 1, 1], [], []>, transpose_lhs_hint = false} : vector<4096x32xf32>, vector<32x128xf32>, vector<4096x128xf32> -> vector<4096x128xf32>
    %add3A = vector.broadcast %get3A_7 : vector<1x128xf32> to vector<4096x128xf32>
    %add3A_27 = arith.addf %dot_general3A_26, %add3A : vector<4096x128xf32>
    %max3A = arith.constant 0.000000e+00 : f32
    %max3A_28 = vector.broadcast %max3A : f32 to vector<4096x128xf32>
    %max3A_29 = arith.maximumf %add3A_27, %max3A_28 : vector<4096x128xf32>
    %dot_general3A_30 = arith.constant dense<0.000000e+00> : vector<4096x128xf32>
    %dot_general3A_31 = tpu.matmul %max3A_29, %get3A_10, %dot_general3A_30 {dimension_numbers = #tpu.dot_dimension_numbers<[1], [0], [0], [1], [0, 0, 1, 1], [], []>, transpose_lhs_hint = false} : vector<4096x128xf32>, vector<128x128xf32>, vector<4096x128xf32> -> vector<4096x128xf32>
    %add3A_32 = vector.broadcast %get3A_13 : vector<1x128xf32> to vector<4096x128xf32>
    %add3A_33 = arith.addf %dot_general3A_31, %add3A_32 : vector<4096x128xf32>
    %max3A_34 = arith.constant 0.000000e+00 : f32
    %max3A_35 = vector.broadcast %max3A_34 : f32 to vector<4096x128xf32>
    %max3A_36 = arith.maximumf %add3A_33, %max3A_35 : vector<4096x128xf32>
    %add3A_37 = arith.addf %broadcast_in_dim3A_20, %max3A_36 : vector<4096x128xf32>
    %get3A_38 = arith.constant 1 : index
    %get3A_39 = arith.constant 0 : index
    %get3A_40 = arith.constant 0 : index
    %get3A_41 = vector.load %arg2[%get3A_38, %get3A_39, %get3A_40] : memref<3x4096x16xf32, #tpu.memory_space<vmem>>, vector<1x4096x16xf32>
    %get3A_42 = vector.shape_cast %get3A_41 : vector<1x4096x16xf32> to vector<4096x16xf32>
    %sub3A_43 = arith.subf %get3A_42, %get3A_1 : vector<4096x16xf32>
    %concatenate3A_44 = tpu.concatenate %get3A_1, %sub3A_43 in 1 : vector<4096x16xf32>, vector<4096x16xf32> -> vector<4096x32xf32>
    %dot_general3A_45 = arith.constant dense<0.000000e+00> : vector<4096x128xf32>
    %dot_general3A_46 = tpu.matmul %concatenate3A_44, %get3A_4, %dot_general3A_45 {dimension_numbers = #tpu.dot_dimension_numbers<[1], [0], [0], [1], [0, 0, 1, 1], [], []>, transpose_lhs_hint = false} : vector<4096x32xf32>, vector<32x128xf32>, vector<4096x128xf32> -> vector<4096x128xf32>
    %add3A_47 = vector.broadcast %get3A_7 : vector<1x128xf32> to vector<4096x128xf32>
    %add3A_48 = arith.addf %dot_general3A_46, %add3A_47 : vector<4096x128xf32>
    %max3A_49 = arith.constant 0.000000e+00 : f32
    %max3A_50 = vector.broadcast %max3A_49 : f32 to vector<4096x128xf32>
    %max3A_51 = arith.maximumf %add3A_48, %max3A_50 : vector<4096x128xf32>
    %dot_general3A_52 = arith.constant dense<0.000000e+00> : vector<4096x128xf32>
    %dot_general3A_53 = tpu.matmul %max3A_51, %get3A_10, %dot_general3A_52 {dimension_numbers = #tpu.dot_dimension_numbers<[1], [0], [0], [1], [0, 0, 1, 1], [], []>, transpose_lhs_hint = false} : vector<4096x128xf32>, vector<128x128xf32>, vector<4096x128xf32> -> vector<4096x128xf32>
    %add3A_54 = vector.broadcast %get3A_13 : vector<1x128xf32> to vector<4096x128xf32>
    %add3A_55 = arith.addf %dot_general3A_53, %add3A_54 : vector<4096x128xf32>
    %max3A_56 = arith.constant 0.000000e+00 : f32
    %max3A_57 = vector.broadcast %max3A_56 : f32 to vector<4096x128xf32>
    %max3A_58 = arith.maximumf %add3A_55, %max3A_57 : vector<4096x128xf32>
    %add3A_59 = arith.addf %add3A_37, %max3A_58 : vector<4096x128xf32>
    %get3A_60 = arith.constant 2 : index
    %get3A_61 = arith.constant 0 : index
    %get3A_62 = arith.constant 0 : index
    %get3A_63 = vector.load %arg2[%get3A_60, %get3A_61, %get3A_62] : memref<3x4096x16xf32, #tpu.memory_space<vmem>>, vector<1x4096x16xf32>
    %get3A_64 = vector.shape_cast %get3A_63 : vector<1x4096x16xf32> to vector<4096x16xf32>
    %sub3A_65 = arith.subf %get3A_64, %get3A_1 : vector<4096x16xf32>
    %concatenate3A_66 = tpu.concatenate %get3A_1, %sub3A_65 in 1 : vector<4096x16xf32>, vector<4096x16xf32> -> vector<4096x32xf32>
    %dot_general3A_67 = arith.constant dense<0.000000e+00> : vector<4096x128xf32>
    %dot_general3A_68 = tpu.matmul %concatenate3A_66, %get3A_4, %dot_general3A_67 {dimension_numbers = #tpu.dot_dimension_numbers<[1], [0], [0], [1], [0, 0, 1, 1], [], []>, transpose_lhs_hint = false} : vector<4096x32xf32>, vector<32x128xf32>, vector<4096x128xf32> -> vector<4096x128xf32>
    %add3A_69 = vector.broadcast %get3A_7 : vector<1x128xf32> to vector<4096x128xf32>
    %add3A_70 = arith.addf %dot_general3A_68, %add3A_69 : vector<4096x128xf32>
    %max3A_71 = arith.constant 0.000000e+00 : f32
    %max3A_72 = vector.broadcast %max3A_71 : f32 to vector<4096x128xf32>
    %max3A_73 = arith.maximumf %add3A_70, %max3A_72 : vector<4096x128xf32>
    %dot_general3A_74 = arith.constant dense<0.000000e+00> : vector<4096x128xf32>
    %dot_general3A_75 = tpu.matmul %max3A_73, %get3A_10, %dot_general3A_74 {dimension_numbers = #tpu.dot_dimension_numbers<[1], [0], [0], [1], [0, 0, 1, 1], [], []>, transpose_lhs_hint = false} : vector<4096x128xf32>, vector<128x128xf32>, vector<4096x128xf32> -> vector<4096x128xf32>
    %add3A_76 = vector.broadcast %get3A_13 : vector<1x128xf32> to vector<4096x128xf32>
    %add3A_77 = arith.addf %dot_general3A_75, %add3A_76 : vector<4096x128xf32>
    %max3A_78 = arith.constant 0.000000e+00 : f32
    %max3A_79 = vector.broadcast %max3A_78 : f32 to vector<4096x128xf32>
    %max3A_80 = arith.maximumf %add3A_77, %max3A_79 : vector<4096x128xf32>
    %add3A_81 = arith.addf %add3A_59, %max3A_80 : vector<4096x128xf32>
    %mul3A = arith.constant 0.333333343 : f32
    %mul3A_82 = vector.broadcast %mul3A : f32 to vector<4096x128xf32>
    %mul3A_83 = arith.mulf %add3A_81, %mul3A_82 : vector<4096x128xf32>
    %dot_general3A_84 = arith.constant dense<0.000000e+00> : vector<4096x4xf32>
    %dot_general3A_85 = tpu.matmul %mul3A_83, %get3A_16, %dot_general3A_84 {dimension_numbers = #tpu.dot_dimension_numbers<[1], [0], [0], [1], [0, 0, 1, 1], [], []>, transpose_lhs_hint = false} : vector<4096x128xf32>, vector<128x4xf32>, vector<4096x4xf32> -> vector<4096x4xf32>
    %add3A_86 = vector.broadcast %get3A_19 : vector<1x4xf32> to vector<4096x4xf32>
    %add3A_87 = arith.addf %dot_general3A_85, %add3A_86 : vector<4096x4xf32>
    %swap3A = arith.constant 0 : index
    %swap3A_88 = arith.constant 0 : index
    %swap3A_89 = vector.load %arg9[%swap3A, %swap3A_88] : memref<4096x4xf32, #tpu.memory_space<vmem>>, vector<4096x4xf32>
    tpu.vector_store %arg9[%swap3A, %swap3A_88], %add3A_87 {strides = array<i32>} : memref<4096x4xf32, #tpu.memory_space<vmem>>, vector<4096x4xf32>,
    return
  }
  func.func @transform_0(%arg0: i32) -> (i32, i32) {
    %c0_i32 = arith.constant 0 : i32
    %c0_i32_0 = arith.constant 0 : i32
    return %arg0, %c0_i32 : i32, i32
  }
  func.func @transform_1(%arg0: i32) -> (i32, i32, i32) {
    %c0_i32 = arith.constant 0 : i32
    %c0_i32_0 = arith.constant 0 : i32
    %c0_i32_1 = arith.constant 0 : i32
    return %c0_i32, %arg0, %c0_i32_0 : i32, i32, i32
  }
  func.func @transform_2(%arg0: i32) -> (i32, i32) {
    %c0_i32 = arith.constant 0 : i32
    %c0_i32_0 = arith.constant 0 : i32
    %c0_i32_1 = arith.constant 0 : i32
    return %c0_i32, %c0_i32_0 : i32, i32
  }
  func.func @transform_3(%arg0: i32) -> (i32, i32) {
    %c0_i32 = arith.constant 0 : i32
    %c0_i32_0 = arith.constant 0 : i32
    %c0_i32_1 = arith.constant 0 : i32
    return %c0_i32, %c0_i32_0 : i32, i32
  }
  func.func @transform_4(%arg0: i32) -> (i32, i32) {
    %c0_i32 = arith.constant 0 : i32
    %c0_i32_0 = arith.constant 0 : i32
    %c0_i32_1 = arith.constant 0 : i32
    return %c0_i32, %c0_i32_0 : i32, i32
  }
  func.func @transform_5(%arg0: i32) -> (i32, i32) {
    %c0_i32 = arith.constant 0 : i32
    %c0_i32_0 = arith.constant 0 : i32
    %c0_i32_1 = arith.constant 0 : i32
    return %c0_i32, %c0_i32_0 : i32, i32
  }
  func.func @transform_6(%arg0: i32) -> (i32, i32) {
    %c0_i32 = arith.constant 0 : i32
    %c0_i32_0 = arith.constant 0 : i32
    %c0_i32_1 = arith.constant 0 : i32
    return %c0_i32, %c0_i32_0 : i32, i32
  }
  func.func @transform_7(%arg0: i32) -> (i32, i32) {
    %c0_i32 = arith.constant 0 : i32
    %c0_i32_0 = arith.constant 0 : i32
    %c0_i32_1 = arith.constant 0 : i32
    return %c0_i32, %c0_i32_0 : i32, i32
  }
  func.func @transform_8(%arg0: i32) -> (i32, i32) {
    %c0_i32 = arith.constant 0 : i32
    %c0_i32_0 = arith.constant 0 : i32
    return %arg0, %c0_i32 : i32, i32
  }
}

</mosaic_0001>

<sc_bundles>
// kernel: kernel.12.cloned.1.call-start
scs
__scs_entry_jumppad:
0x0: {  	(pc) =	sbr.rel $0x88, $3  }
0x1: {  	(tag) =	ssettag $0x0;
	lr =	simm.s32 $0x1  }
0x2: {  	[smem:$0x3F91] =	sst lr;
	_ =	strace $0xD0000000  }
0x3: {  	_ = 	snop  }
0x4: {  	_ = 	snop  }
0x5: {  	_ = 	snop  }
0x6: {  	_ = 	snop  }
0x7: {  	_ = 	snop  }
__scs_overlays_trampoline_lowered:
0x8: {  	[smem:$0x3FA0] =	sst s0  }
0x9: {  	[smem:$0x3FA1] =	sst s1  }
0xa: {  	[smem:$0x3FA2] =	sst s2  }
0xb: {  	[smem:$0x3FA3] =	sst s3  }
0xc: {  	[smem:$0x3FA4] =	sst s4  }
0xd: {  	[smem:$0x3FA5] =	sst s5  }
0xe: {  	[smem:$0x3FA6] =	sst s6  }
0xf: {  	[smem:$0x3FA7] =	sst s7  }
0x10: {  	[smem:$0x3FA8] =	sst s8  }
0x11: {  	[smem:$0x3FA9] =	sst s9;
	s0 =	simm.s32 @!p0 $0x0  }
0x12: {  	s1 =	sld [smem:$0x3F8F];
	s0 =	simm.s32 @p0 $0x1  }
0x13: {  	[smem:$0x3FAA] =	sst s0;
	s0 =	simm.s32 @!p1 $0x0  }
0x14: {  	s2 =	sld [smem:$0x3F8E];
	s0 =	simm.s32 @p1 $0x1  }
0x15: {  	[smem:$0x3FAB] =	sst s0;
	s0 =	simm.s32 @!p2 $0x0  }
0x16: {  	s3 =	sld [smem:$0x3FDB];
	s0 =	simm.s32 @p2 $0x1  }
0x17: {  	s4 =	simm.s32 $0x1BF5;
	[smem:$0x3FAD] =	sst s0  }
0x18: {  	s0 =	sld [smem:$0x3F90];
	_ =	swait.ge [sflag:s4], $0x0  }
0x19: {  	s7 =	sld [smem:$0x3F91]  }
0x1a: {  	s8 =	sadd.s32 $0xFFFFE003, lr  }
0x1b: {  	s9 =	sadd.s32 $0xFFFFFEF7, lr;
	s5 =	simm.s32 $0xFFFFFFFF;
	p2 =	slt.u32 s8, $0xFFFFF086  }
0x1c: {  	p1 =	slt.u32 s9, $0xF7A;
	s5 =	simm.s32 @!p2 $0x0  }
0x1d: {  	s5 =	simm.s32 @p1 $0x1;
	p0 =	seq.s32 s7, s2  }
0x1e: {  	s7 =	smul.u32 @!p0 $0xF7A, s2;
	p2 =	seq.s32 @!p0 s5, $0x0  }
0x1f: {  	s9 =	smul.u32 $0xF7A, s1;
	s8 =	simm.s32 @!p0 $0x1BF5;
	p2 =	por !p2, p0  }
0x20: {  	[sflag:s8] =	ssyncset.s32 @!p0 $0xFFFFF086;
	s6 =	sadd.s32 @!p0 s3, s7;
	s7 =	simm.s32 @!p0 $0x108  }
0x21: {  	s3 =	sadd.s32 s3, s9;
	s6 =	sadd.s32 @!p0 $0x88, s6;
	s7 =	simm.s32 @p2 $0x1082  }
0x22: {  	[simem:s7], [sflag:s8] =	dma.local @!p0 [hbm:s6], $0xF7A  }
0x23: {  	s9 =	sor.u32 $0xD0000000, s2;
	s6 =	simm.s32 $0x108;
	_ =	swait.ge @!p0 [sflag:s8], $0x0  }
0x24: {  	s3 =	sadd.s32 $0x88, s3;
	s6 =	simm.s32 @!p1 $0x1082;
	[sflag:s4] =	ssyncset.s32 $0xFFFFF086  }
0x25: {  	[simem:s6], [sflag:s4] =	dma.local [hbm:s3], $0xF7A  }
0x26: {  	[smem:$0x3F91] =	sst s1;
	(tag) =	ssettag s2;
	_ =	strace s9  }
0x27: {  	s1 =	sld [smem:$0x3FA1]  }
0x28: {  	s2 =	sld [smem:$0x3FA2]  }
0x29: {  	s4 =	sld [smem:$0x3FA4]  }
0x2a: {  	p0 =	seq.s32 s5, $0x0;
	s5 =	sld [smem:$0x3FA5]  }
0x2b: {  	s6 =	sld [smem:$0x3FA6]  }
0x2c: {  	s7 =	sld [smem:$0x3FA7]  }
0x2d: {  	s3 =	simm.s32 $0x108;
	s8 =	sld [smem:$0x3FA8]  }
0x2e: {  	s3 =	simm.s32 @!p0 $0x1082;
	s9 =	sld [smem:$0x3FA9]  }
0x2f: {  	lr =	sadd.s32 s0, s3;
	s0 =	sld [smem:$0x3FA0]  }
0x30: {  	s3 =	sld [smem:$0x3FA3]  }
0x31: {  	[smem:$0x3FAC] =	sst s10  }
0x32: {  	s10 =	sld [smem:$0x3FAA];
	_ =	sdelay $0x3  }
0x33: {  	p0 =	seq.s32 s10, $0x1;
	s10 =	sld [smem:$0x3FAC];
	_ =	sdelay $0x3  }
0x34: {  	[smem:$0x3FAC] =	sst s10  }
0x35: {  	s10 =	sld [smem:$0x3FAB];
	_ =	sdelay $0x3  }
0x36: {  	p1 =	seq.s32 s10, $0x1;
	s10 =	sld [smem:$0x3FAC];
	_ =	sdelay $0x3  }
0x37: {  	[smem:$0x3FAC] =	sst s10  }
0x38: {  	s10 =	sld [smem:$0x3FAD]  }
0x39: {  	_ = 	snop;
	(pc) =	sbr.ind lr, $3  }
0x3a: {  	_ = 	snop  }
0x3b: {  	_ = 	snop  }
0x3c: {  	p2 =	seq.s32 s10, $0x1;
	s10 =	sld [smem:$0x3FAC]  }
0x3d: {  	_ =	shalt  }
0x3e: {  	_ =	shalt  }
0x3f: {  	_ =	shalt  }
0x40: {  	_ =	shalt  }
0x41: {  	_ =	shalt  }
0x42: {  	_ =	shalt  }
0x43: {  	_ =	shalt  }
0x44: {  	_ =	shalt  }
0x45: {  	_ =	shalt  }
0x46: {  	_ =	shalt  }
0x47: {  	_ =	shalt  }
0x48: {  	_ =	shalt  }
0x49: {  	_ =	shalt  }
0x4a: {  	_ =	shalt  }
0x4b: {  	_ =	shalt  }
0x4c: {  	_ =	shalt  }
0x4d: {  	_ =	shalt  }
0x4e: {  	_ =	shalt  }
0x4f: {  	_ =	shalt  }
0x50: {  	_ =	shalt  }
0x51: {  	_ =	shalt  }
0x52: {  	_ =	shalt  }
0x53: {  	_ =	shalt  }
0x54: {  	_ =	shalt  }
0x55: {  	_ =	shalt  }
0x56: {  	_ =	shalt  }
0x57: {  	_ =	shalt  }
0x58: {  	_ =	shalt  }
0x59: {  	_ =	shalt  }
0x5a: {  	_ =	shalt  }
0x5b: {  	_ =	shalt  }
0x5c: {  	_ =	shalt  }
0x5d: {  	_ =	shalt  }
0x5e: {  	_ =	shalt  }
0x5f: {  	_ =	shalt  }
0x60: {  	_ =	shalt  }
0x61: {  	_ =	shalt  }
0x62: {  	_ =	shalt  }
0x63: {  	_ =	shalt  }
0x64: {  	_ =	shalt  }
0x65: {  	_ =	shalt  }
0x66: {  	_ =	shalt  }
0x67: {  	_ =	shalt  }
0x68: {  	_ =	shalt  }
0x69: {  	_ =	shalt  }
0x6a: {  	_ =	shalt  }
0x6b: {  	_ =	shalt  }
0x6c: {  	_ =	shalt  }
0x6d: {  	_ =	shalt  }
0x6e: {  	_ =	shalt  }
0x6f: {  	_ =	shalt  }
0x70: {  	_ =	shalt  }
0x71: {  	_ =	shalt  }
0x72: {  	_ =	shalt  }
0x73: {  	_ =	shalt  }
0x74: {  	_ =	shalt  }
0x75: {  	_ =	shalt  }
0x76: {  	_ =	shalt  }
0x77: {  	_ =	shalt  }
0x78: {  	_ =	shalt  }
0x79: {  	_ =	shalt  }
0x7a: {  	_ =	shalt  }
0x7b: {  	_ =	shalt  }
0x7c: {  	_ =	shalt  }
0x7d: {  	_ =	shalt  }
0x7e: {  	_ =	shalt  }
0x7f: {  	_ =	shalt  }
0x80: {  	_ =	shalt  }
0x81: {  	_ =	shalt  }
0x82: {  	_ =	shalt  }
0x83: {  	_ =	shalt  }
0x84: {  	_ =	shalt  }
0x85: {  	_ =	shalt  }
0x86: {  	_ =	shalt  }
0x87: {  	_ =	shalt  }
.Lfunc_end0:
.L_simem_size_0:
called_computation.1_lowered:
.L_overlay_start_0:
0x88: {  	s2 =	sld [smem:$0x3FD9]  }
0x89: {  	s3 =	sld [smem:$0x3FFE];
	_ =	sdelay $0x1  }
0x8a: {  	s1 =	srdreg.scid  }
0x8b: {  	s0 =	sand.u32 $0x1, s1  }
0x8c: {  	s17 =	sshll.u32 s0, $0xA;
	s2 =	sadd.s32 s3, s2  }
0x8d: {  	s2 =	sadd.s32 s2, s17  }
0x8e: {  	[smem:$0x3FB8] =	sst s2  }
0x8f: {  	_ = 	snop  }
0x90: {  	s2 =	sld [smem:$0x3FD0];
	(tm) =	ssettm $0x1  }
0x91: {  	s18 =	sld [smem:$0x3FFB];
	_ =	sdelay $0x3  }
0x92: {  	_ =	strace s18  }
0x93: {  	s3 =	sld [smem:$0x3FFC];
	_ =	sdelay $0x3  }
0x94: {  	_ =	strace s3  }
0x95: {  	s3 =	sld [smem:$0x3FFD];
	_ =	sdelay $0x3  }
0x96: {  	_ =	strace s3  }
0x97: {  	_ =	strace $0x8FFFFFFF  }
0x98: {  	s19 =	sld [smem:$0x3FDB];
	_ =	sdelay $0x1  }
0x99: {  	s4 =	simm.s32 $_scs_section_size  }
0x9a: {  	s5 =	simm.s32 $_size__tile_overlayer_lowered;
	s6 =	simm.s32 $_tile_overlayer_lowered  }
0x9b: {  	s22 =	simm.s32 $0x1BFF;
	s21 =	sshll.u32 s6, $0x1;
	s3 =	sadd.s32 s4, s19  }
0x9c: {  	s7 =	simm.s32 $0x0;
	s20 =	sshll.u32 s5, $0x1;
	s5 =	sadd.s32 s21, s3  }
0x9d: {  	[timem:s7], [sflag:s22] =	dma.local [hbm:s5], s20  }
0x9e: {  	_ =	swait.ge [sflag:s22], s20  }
0x9f: {  	s4 =	ssub.s32 $0x0, s20;
	[sflag:s22] =	ssyncset.done $0x0  }
0xa0: {  	[sflag:s22] =	ssyncadd.s32 s4;
	_ =	sdelay $0x1  }
0xa1: {  	s23 =	simm.s32 $0x1B8B  }
0xa2: {  	_ =	swait.ge [sflag:s23], $0x1  }
0xa3: {  	[sflag:s23] =	ssyncset.done $0x0  }
0xa4: {  	s25 =	simm.s32 $0x1B8E;
	s24 =	sld [smem:$0x3FFE];
	[sflag:s23] =	ssyncadd.s32 $0xFFFFFFFF  }
0xa5: {  	s26 =	simm.s32 $execute0_lowered;
	[smem:$0x3FD2] =	sst s25  }
0xa6: {  	s5 =	sshll.u32 s26, $0x1;
	_ =	strace $0x80000049;
	[dreg:$0x1] =	wrdreg $0xFFFFFFFF  }
0xa7: {  	s28 =	simm.s32 $_size_execute0_lowered;
	s3 =	sadd.s32 s3, s5;
	[dreg:$0x0] =	wrdreg $0x0  }
0xa8: {  	s5 =	sshll.u32 s28, $0x1;
	[dreg:$0x2] =	wrdreg s3  }
0xa9: {  	[dreg:$0x3] =	wrdreg s5  }
0xaa: {  	[dreg:$0x4] =	wrdreg $0xC0  }
0xab: {  	_ =	task [dreg:s7], $0x5FFFF  }
0xac: {  	[dreg:$0x1] =	wrdreg $0xFFFFFFFF  }
0xad: {  	[dreg:$0x0] =	wrdreg $0x60  }
0xae: {  	[dreg:$0x2] =	wrdreg s24  }
0xaf: {  	[dreg:$0x3] =	wrdreg s2  }
0xb0: {  	[dreg:$0x4] =	wrdreg $0x9  }
0xb1: {  	_ =	task.clear_ibuf [dreg:s7], $0x5FFFF;
	_ =	strace $0x90000049  }
0xb2: {  	s29 =	simm.s32 $0x9;
	_ =	strace $0x8000004B  }
0xb3: {  	_ =	swait.ge [sflag:s29], $0x1  }
0xb4: {  	[sflag:s29] =	ssyncadd.s32 $0xFFFFFFFF  }
0xb5: {  	_ =	strace $0x9000004B  }
0xb6: {  	_ =	sfence  }
0xb7: {  	s30 =	sld [smem:$0x0];
	_ =	sdelay $0x2  }
0xb8: {  	s31 =	sshll.u32 s1, $0xD;
	s1 =	sshrl.u32 s1, $0x2  }
0xb9: {  	s3 =	sand.u32 $0x4000, s31;
	s1 =	sadd.s32 s1, s30  }
0xba: {  	s0 =	sor.u32 s3, s0;
	s1 =	sshll.u32 s1, $0x11  }
0xbb: {  	s0 =	sor.u32 s1, s0  }
0xbc: {  	s0 =	sadd.s32 $0x8F2B, s0  }
0xbd: {  	[sflag:s0] =	ssyncadd.remote.s32 $0x1  }
0xbe: {  	_ =	sfence.sel $0xFFFF  }
0xbf: {  	[dreg:$0x0] =	wrdreg $0xFFFFFFFF;
	(pc) =	sbr.abs _section_cstart, $3  }
0xc0: {  	[dreg:$0x1] =	wrdreg $0xFFFFFFFF  }
0xc1: {  	_ =	task.clear_ibuf [dreg:s7], $0x2FFFF;
	_ =	strace $0x9FFFFFFF  }
0xc2: {  	(tm) =	ssettm $0x7FFFFFFF  }
0xc3: {  	_ =	shalt  }
tec
execute0_lowered:
.L_overlay_start_1:
0x0: {  	(tag) =	ssettag $0x1  }
0x1: {  	s1 =	srdreg.scid  }
0x2: {  	s0 =	stileid.u32;
	s8 =	rddreg [dreg:$0x0]  }
0x3: {  	s3 =	rddreg [dreg:$0x1];
	s6 =	sand.u32 $0x1, s1;
	s30 =	sshll.u32 s0, $0x1  }
0x4: {  	s2 =	simm.s32 $0x0;
	s1 =	rddreg [dreg:$0x2];
	s7 =	sor.u32 s6, s30  }
0x5: {  	[smem:$0x7FF] =	sst s2;
	s4 =	smul.u32 $0x60, s7  }
0x6: {  	s5 =	sadd.s32 $0x2E00, s8;
	_ =	strace $0x8000004A;
	s10 =	ssub.s32 $0x2, s6  }
0x7: {  	s6 =	simm.s32 $0x300;
	s4 =	sadd.s32 s3, s4;
	s3 =	simm.s32 $0x2  }
0x8: {  	[tilespmem:s2], [sflag:$0x2] =	stream.linear.gather [hbm4b:s4+s2], $0x300, $0x38;
	[tilespmem:$0x3300] =	vst v63  }
0x9: {  	s9 =	smul.u32 $0x600, s7;
	s11 =	sshrl.u32 s10, $0x1;
	_ =	swait.ge [sflag:s3], $0x300  }
0xa: {  	s7 =	simm.s32 $0x1;
	s31 =	ssub.s32 s10, s11;
	[sflag:s3] =	ssyncset.done $0x0  }
0xb: {  	s8 =	sadd.s32 s9, s8;
	s9 =	smax.u32 s31, $0x1;
	[sflag:s3] =	ssyncadd.s32 $0xFFFFFD00  }
0xc: {  	[tilespmem:s6], [sflag:$0x1] =	stream.indirect.gather [hbm4b:s5+s6], $0x10, s2, s6, $0xb8;
	[tilespmem:$0x3300] =	vst v63  }
0xd: {  	p0 =	sne.s32 s9, $0x1;
	_ =	swait.ge [sflag:s7], $0x3000  }
.Ltmp0:
0xe: {  	[sflag:s7] =	ssyncset.done $0x0;
	(pc) =	sbr.rel @!p0 .LBB2_2-.Ltmp0, $4  }
0xf: {  	s8 =	sadd.s32 $0x6E00, s8;
	[sflag:s7] =	ssyncadd.s32 $0xFFFFD000  }
0x10: {  	[hbm4b:s8+s2] =	stream.linear.scatter [tilespmem:s6], [sflag:$0x2], $0x3000, $0x38;
	[tilespmem:$0x3300] =	vst v63  }
0x11: {  	_ =	swait.ge [sflag:s3], $0x3000  }
0x12: {  	s9 =	sadd.s32 $0xFFFFFFFF, s9;
	[sflag:s3] =	ssyncset.done $0x0  }
.LBB2_1:
0x13: {  	p0 =	sne.s32 s9, $0x1;
	s9 =	sadd.s32 $0xFFFFFFFF, s9;
	[sflag:s3] =	ssyncadd.s32 $0xFFFFD000  }
0x14: {  	[tilespmem:s2], [sflag:$0x2] =	stream.linear.gather [hbm4b:s4+s2], $0x300, $0x38;
	[tilespmem:$0x3300] =	vst v63  }
0x15: {  	_ =	swait.ge [sflag:s3], $0x300  }
0x16: {  	[sflag:s3] =	ssyncset.done $0x0  }
0x17: {  	[sflag:s3] =	ssyncadd.s32 $0xFFFFFD00  }
0x18: {  	[tilespmem:s6], [sflag:$0x1] =	stream.indirect.gather [hbm4b:s5+s6], $0x10, s2, s6, $0xb8;
	[tilespmem:$0x3300] =	vst v63  }
0x19: {  	_ =	swait.ge [sflag:s7], $0x3000  }
.Ltmp1:
0x1a: {  	[sflag:s7] =	ssyncset.done $0x0;
	(pc) =	sbr.rel @p0 .LBB2_1-.Ltmp1, $4  }
0x1b: {  	[sflag:s7] =	ssyncadd.s32 $0xFFFFD000  }
0x1c: {  	[hbm4b:s8+s2] =	stream.linear.scatter [tilespmem:s6], [sflag:$0x2], $0x3000, $0x38;
	[tilespmem:$0x3300] =	vst v63  }
0x1d: {  	_ =	swait.ge [sflag:s3], $0x3000  }
0x1e: {  	[sflag:s3] =	ssyncset.done $0x0  }
.LBB2_2:
0x1f: {  	[sflag:s3] =	ssyncadd.s32 $0xFFFFD000  }
0x20: {  	_ =	sfence.sel $0x180000  }
0x21: {  	[bflag:$0x0] =	sbarrier.arrive $0xFFFF  }
0x22: {  	p0 =	sne.s32 s0, $0x0;
	_ =	strace $0x9000004A  }
0x23: {  	s0 =	sadd.s32 @!p0 $0x100000, s1;
	[bflag:$0x2] =	sbarrier.arrive $0xFFFF  }
0x24: {  	[sflag:s0] =	ssyncadd.tile.s32 @!p0 $0x1;
	_ =	shalt  }
.Lfunc_end2:
_tile_overlayer_lowered:
.L_overlay_start_2:
0x25: {  	(tag) =	ssettag $0x2  }
0x26: {  	s0 =	rddreg [dreg:$0x0];
	s2 =	stileid.u32  }
0x27: {  	s1 =	rddreg [dreg:$0x1];
	p0 =	sne.s32 s2, $0x0  }
0x28: {  	s3 =	rddreg [dreg:$0x2];
	[bflag:$0x3] =	sbarrier.arrive $0xFFFF;
	s2 =	simm.s32 @!p0 $0x1C02  }
0x29: {  	[timem:s3], [sflag:s2] =	dma.local @!p0 [hbm:s0], s1  }
0x2a: {  	s0 =	simm.s32 @!p0 $0x2  }
0x2b: {  	_ =	swait.ge @!p0 [sflag:s0], s1  }
0x2c: {  	s1 =	ssub.s32 @!p0 $0x0, s1;
	[sflag:s0] =	ssyncset.done @!p0 $0x0  }
0x2d: {  	[sflag:s0] =	ssyncadd.s32 @!p0 s1  }
0x2e: {  	[bflag:$0x3] =	sbarrier.arrive $0xFFFF  }
0x2f: {  	_ =	shalt  }

// kernel: kernel.9.cloned.1.call-start
scs
__scs_entry_jumppad:
0x0: {  	(pc) =	sbr.rel $0x88, $3  }
0x1: {  	(tag) =	ssettag $0x0;
	lr =	simm.s32 $0x1  }
0x2: {  	[smem:$0x3F91] =	sst lr;
	_ =	strace $0xD0000000  }
0x3: {  	_ = 	snop  }
0x4: {  	_ = 	snop  }
0x5: {  	_ = 	snop  }
0x6: {  	_ = 	snop  }
0x7: {  	_ = 	snop  }
__scs_overlays_trampoline_lowered:
0x8: {  	[smem:$0x3FA0] =	sst s0  }
0x9: {  	[smem:$0x3FA1] =	sst s1  }
0xa: {  	[smem:$0x3FA2] =	sst s2  }
0xb: {  	[smem:$0x3FA3] =	sst s3  }
0xc: {  	[smem:$0x3FA4] =	sst s4  }
0xd: {  	[smem:$0x3FA5] =	sst s5  }
0xe: {  	[smem:$0x3FA6] =	sst s6  }
0xf: {  	[smem:$0x3FA7] =	sst s7  }
0x10: {  	[smem:$0x3FA8] =	sst s8  }
0x11: {  	[smem:$0x3FA9] =	sst s9;
	s0 =	simm.s32 @!p0 $0x0  }
0x12: {  	s1 =	sld [smem:$0x3F8F];
	s0 =	simm.s32 @p0 $0x1  }
0x13: {  	[smem:$0x3FAA] =	sst s0;
	s0 =	simm.s32 @!p1 $0x0  }
0x14: {  	s2 =	sld [smem:$0x3F8E];
	s0 =	simm.s32 @p1 $0x1  }
0x15: {  	[smem:$0x3FAB] =	sst s0;
	s0 =	simm.s32 @!p2 $0x0  }
0x16: {  	s3 =	sld [smem:$0x3FDB];
	s0 =	simm.s32 @p2 $0x1  }
0x17: {  	s4 =	simm.s32 $0x1BF5;
	[smem:$0x3FAD] =	sst s0  }
0x18: {  	s0 =	sld [smem:$0x3F90];
	_ =	swait.ge [sflag:s4], $0x0  }
0x19: {  	s7 =	sld [smem:$0x3F91]  }
0x1a: {  	s8 =	sadd.s32 $0xFFFFE003, lr  }
0x1b: {  	s9 =	sadd.s32 $0xFFFFFEF7, lr;
	s5 =	simm.s32 $0xFFFFFFFF;
	p2 =	slt.u32 s8, $0xFFFFF086  }
0x1c: {  	p1 =	slt.u32 s9, $0xF7A;
	s5 =	simm.s32 @!p2 $0x0  }
0x1d: {  	s5 =	simm.s32 @p1 $0x1;
	p0 =	seq.s32 s7, s2  }
0x1e: {  	s7 =	smul.u32 @!p0 $0xF7A, s2;
	p2 =	seq.s32 @!p0 s5, $0x0  }
0x1f: {  	s9 =	smul.u32 $0xF7A, s1;
	s8 =	simm.s32 @!p0 $0x1BF5;
	p2 =	por !p2, p0  }
0x20: {  	[sflag:s8] =	ssyncset.s32 @!p0 $0xFFFFF086;
	s6 =	sadd.s32 @!p0 s3, s7;
	s7 =	simm.s32 @!p0 $0x108  }
0x21: {  	s3 =	sadd.s32 s3, s9;
	s6 =	sadd.s32 @!p0 $0x88, s6;
	s7 =	simm.s32 @p2 $0x1082  }
0x22: {  	[simem:s7], [sflag:s8] =	dma.local @!p0 [hbm:s6], $0xF7A  }
0x23: {  	s9 =	sor.u32 $0xD0000000, s2;
	s6 =	simm.s32 $0x108;
	_ =	swait.ge @!p0 [sflag:s8], $0x0  }
0x24: {  	s3 =	sadd.s32 $0x88, s3;
	s6 =	simm.s32 @!p1 $0x1082;
	[sflag:s4] =	ssyncset.s32 $0xFFFFF086  }
0x25: {  	[simem:s6], [sflag:s4] =	dma.local [hbm:s3], $0xF7A  }
0x26: {  	[smem:$0x3F91] =	sst s1;
	(tag) =	ssettag s2;
	_ =	strace s9  }
0x27: {  	s1 =	sld [smem:$0x3FA1]  }
0x28: {  	s2 =	sld [smem:$0x3FA2]  }
0x29: {  	s4 =	sld [smem:$0x3FA4]  }
0x2a: {  	p0 =	seq.s32 s5, $0x0;
	s5 =	sld [smem:$0x3FA5]  }
0x2b: {  	s6 =	sld [smem:$0x3FA6]  }
0x2c: {  	s7 =	sld [smem:$0x3FA7]  }
0x2d: {  	s3 =	simm.s32 $0x108;
	s8 =	sld [smem:$0x3FA8]  }
0x2e: {  	s3 =	simm.s32 @!p0 $0x1082;
	s9 =	sld [smem:$0x3FA9]  }
0x2f: {  	lr =	sadd.s32 s0, s3;
	s0 =	sld [smem:$0x3FA0]  }
0x30: {  	s3 =	sld [smem:$0x3FA3]  }
0x31: {  	[smem:$0x3FAC] =	sst s10  }
0x32: {  	s10 =	sld [smem:$0x3FAA];
	_ =	sdelay $0x3  }
0x33: {  	p0 =	seq.s32 s10, $0x1;
	s10 =	sld [smem:$0x3FAC];
	_ =	sdelay $0x3  }
0x34: {  	[smem:$0x3FAC] =	sst s10  }
0x35: {  	s10 =	sld [smem:$0x3FAB];
	_ =	sdelay $0x3  }
0x36: {  	p1 =	seq.s32 s10, $0x1;
	s10 =	sld [smem:$0x3FAC];
	_ =	sdelay $0x3  }
0x37: {  	[smem:$0x3FAC] =	sst s10  }
0x38: {  	s10 =	sld [smem:$0x3FAD]  }
0x39: {  	_ = 	snop;
	(pc) =	sbr.ind lr, $3  }
0x3a: {  	_ = 	snop  }
0x3b: {  	_ = 	snop  }
0x3c: {  	p2 =	seq.s32 s10, $0x1;
	s10 =	sld [smem:$0x3FAC]  }
0x3d: {  	_ =	shalt  }
0x3e: {  	_ =	shalt  }
0x3f: {  	_ =	shalt  }
0x40: {  	_ =	shalt  }
0x41: {  	_ =	shalt  }
0x42: {  	_ =	shalt  }
0x43: {  	_ =	shalt  }
0x44: {  	_ =	shalt  }
0x45: {  	_ =	shalt  }
0x46: {  	_ =	shalt  }
0x47: {  	_ =	shalt  }
0x48: {  	_ =	shalt  }
0x49: {  	_ =	shalt  }
0x4a: {  	_ =	shalt  }
0x4b: {  	_ =	shalt  }
0x4c: {  	_ =	shalt  }
0x4d: {  	_ =	shalt  }
0x4e: {  	_ =	shalt  }
0x4f: {  	_ =	shalt  }
0x50: {  	_ =	shalt  }
0x51: {  	_ =	shalt  }
0x52: {  	_ =	shalt  }
0x53: {  	_ =	shalt  }
0x54: {  	_ =	shalt  }
0x55: {  	_ =	shalt  }
0x56: {  	_ =	shalt  }
0x57: {  	_ =	shalt  }
0x58: {  	_ =	shalt  }
0x59: {  	_ =	shalt  }
0x5a: {  	_ =	shalt  }
0x5b: {  	_ =	shalt  }
0x5c: {  	_ =	shalt  }
0x5d: {  	_ =	shalt  }
0x5e: {  	_ =	shalt  }
0x5f: {  	_ =	shalt  }
0x60: {  	_ =	shalt  }
0x61: {  	_ =	shalt  }
0x62: {  	_ =	shalt  }
0x63: {  	_ =	shalt  }
0x64: {  	_ =	shalt  }
0x65: {  	_ =	shalt  }
0x66: {  	_ =	shalt  }
0x67: {  	_ =	shalt  }
0x68: {  	_ =	shalt  }
0x69: {  	_ =	shalt  }
0x6a: {  	_ =	shalt  }
0x6b: {  	_ =	shalt  }
0x6c: {  	_ =	shalt  }
0x6d: {  	_ =	shalt  }
0x6e: {  	_ =	shalt  }
0x6f: {  	_ =	shalt  }
0x70: {  	_ =	shalt  }
0x71: {  	_ =	shalt  }
0x72: {  	_ =	shalt  }
0x73: {  	_ =	shalt  }
0x74: {  	_ =	shalt  }
0x75: {  	_ =	shalt  }
0x76: {  	_ =	shalt  }
0x77: {  	_ =	shalt  }
0x78: {  	_ =	shalt  }
0x79: {  	_ =	shalt  }
0x7a: {  	_ =	shalt  }
0x7b: {  	_ =	shalt  }
0x7c: {  	_ =	shalt  }
0x7d: {  	_ =	shalt  }
0x7e: {  	_ =	shalt  }
0x7f: {  	_ =	shalt  }
0x80: {  	_ =	shalt  }
0x81: {  	_ =	shalt  }
0x82: {  	_ =	shalt  }
0x83: {  	_ =	shalt  }
0x84: {  	_ =	shalt  }
0x85: {  	_ =	shalt  }
0x86: {  	_ =	shalt  }
0x87: {  	_ =	shalt  }
.Lfunc_end0:
.L_simem_size_0:
called_computation_lowered:
.L_overlay_start_0:
0x88: {  	s2 =	sld [smem:$0x3FD9]  }
0x89: {  	s3 =	sld [smem:$0x3FFE];
	_ =	sdelay $0x1  }
0x8a: {  	s1 =	srdreg.scid  }
0x8b: {  	s0 =	sand.u32 $0x1, s1  }
0x8c: {  	s17 =	sshll.u32 s0, $0xA;
	s2 =	sadd.s32 s3, s2  }
0x8d: {  	s2 =	sadd.s32 s2, s17  }
0x8e: {  	[smem:$0x3FB8] =	sst s2  }
0x8f: {  	_ = 	snop  }
0x90: {  	s2 =	sld [smem:$0x3FD0];
	(tm) =	ssettm $0x1  }
0x91: {  	s18 =	sld [smem:$0x3FFB];
	_ =	sdelay $0x3  }
0x92: {  	_ =	strace s18  }
0x93: {  	s3 =	sld [smem:$0x3FFC];
	_ =	sdelay $0x3  }
0x94: {  	_ =	strace s3  }
0x95: {  	s3 =	sld [smem:$0x3FFD];
	_ =	sdelay $0x3  }
0x96: {  	_ =	strace s3  }
0x97: {  	_ =	strace $0x8FFFFFFF  }
0x98: {  	s19 =	sld [smem:$0x3FDB];
	_ =	sdelay $0x1  }
0x99: {  	s4 =	simm.s32 $_scs_section_size  }
0x9a: {  	s5 =	simm.s32 $_size__tile_overlayer_lowered;
	s6 =	simm.s32 $_tile_overlayer_lowered  }
0x9b: {  	s22 =	simm.s32 $0x1BFF;
	s21 =	sshll.u32 s6, $0x1;
	s3 =	sadd.s32 s4, s19  }
0x9c: {  	s7 =	simm.s32 $0x0;
	s20 =	sshll.u32 s5, $0x1;
	s5 =	sadd.s32 s21, s3  }
0x9d: {  	[timem:s7], [sflag:s22] =	dma.local [hbm:s5], s20  }
0x9e: {  	_ =	swait.ge [sflag:s22], s20  }
0x9f: {  	s4 =	ssub.s32 $0x0, s20;
	[sflag:s22] =	ssyncset.done $0x0  }
0xa0: {  	[sflag:s22] =	ssyncadd.s32 s4;
	_ =	sdelay $0x1  }
0xa1: {  	s23 =	simm.s32 $0x1B8B  }
0xa2: {  	_ =	swait.ge [sflag:s23], $0x1  }
0xa3: {  	[sflag:s23] =	ssyncset.done $0x0  }
0xa4: {  	s25 =	simm.s32 $0x1B8E;
	s24 =	sld [smem:$0x3FFE];
	[sflag:s23] =	ssyncadd.s32 $0xFFFFFFFF  }
0xa5: {  	s26 =	simm.s32 $execute0_lowered;
	[smem:$0x3FD2] =	sst s25  }
0xa6: {  	s5 =	sshll.u32 s26, $0x1;
	_ =	strace $0x80000046;
	[dreg:$0x1] =	wrdreg $0xFFFFFFFF  }
0xa7: {  	s28 =	simm.s32 $_size_execute0_lowered;
	s3 =	sadd.s32 s3, s5;
	[dreg:$0x0] =	wrdreg $0x0  }
0xa8: {  	s5 =	sshll.u32 s28, $0x1;
	[dreg:$0x2] =	wrdreg s3  }
0xa9: {  	[dreg:$0x3] =	wrdreg s5  }
0xaa: {  	[dreg:$0x4] =	wrdreg $0xC0  }
0xab: {  	_ =	task [dreg:s7], $0x5FFFF  }
0xac: {  	[dreg:$0x1] =	wrdreg $0xFFFFFFFF  }
0xad: {  	[dreg:$0x0] =	wrdreg $0x60  }
0xae: {  	[dreg:$0x2] =	wrdreg s24  }
0xaf: {  	[dreg:$0x3] =	wrdreg s2  }
0xb0: {  	[dreg:$0x4] =	wrdreg $0x9  }
0xb1: {  	_ =	task.clear_ibuf [dreg:s7], $0x5FFFF;
	_ =	strace $0x90000046  }
0xb2: {  	s29 =	simm.s32 $0x9;
	_ =	strace $0x80000048  }
0xb3: {  	_ =	swait.ge [sflag:s29], $0x1  }
0xb4: {  	[sflag:s29] =	ssyncadd.s32 $0xFFFFFFFF  }
0xb5: {  	_ =	strace $0x90000048  }
0xb6: {  	_ =	sfence  }
0xb7: {  	s30 =	sld [smem:$0x0];
	_ =	sdelay $0x2  }
0xb8: {  	s31 =	sshll.u32 s1, $0xD;
	s1 =	sshrl.u32 s1, $0x2  }
0xb9: {  	s3 =	sand.u32 $0x4000, s31;
	s1 =	sadd.s32 s1, s30  }
0xba: {  	s0 =	sor.u32 s3, s0;
	s1 =	sshll.u32 s1, $0x11  }
0xbb: {  	s0 =	sor.u32 s1, s0  }
0xbc: {  	s0 =	sadd.s32 $0x8F2B, s0  }
0xbd: {  	[sflag:s0] =	ssyncadd.remote.s32 $0x1  }
0xbe: {  	_ =	sfence.sel $0xFFFF  }
0xbf: {  	[dreg:$0x0] =	wrdreg $0xFFFFFFFF;
	(pc) =	sbr.abs _section_cstart, $3  }
0xc0: {  	[dreg:$0x1] =	wrdreg $0xFFFFFFFF  }
0xc1: {  	_ =	task.clear_ibuf [dreg:s7], $0x2FFFF;
	_ =	strace $0x9FFFFFFF  }
0xc2: {  	(tm) =	ssettm $0x7FFFFFFF  }
0xc3: {  	_ =	shalt  }
tec
execute0_lowered:
.L_overlay_start_1:
0x0: {  	(tag) =	ssettag $0x1  }
0x1: {  	s1 =	srdreg.scid  }
0x2: {  	s0 =	stileid.u32;
	s8 =	rddreg [dreg:$0x0]  }
0x3: {  	s3 =	rddreg [dreg:$0x1];
	s6 =	sand.u32 $0x1, s1;
	s30 =	sshll.u32 s0, $0x1  }
0x4: {  	s2 =	simm.s32 $0x0;
	s1 =	rddreg [dreg:$0x2];
	s7 =	sor.u32 s6, s30  }
0x5: {  	[smem:$0x7FF] =	sst s2;
	s4 =	smul.u32 $0x60, s7  }
0x6: {  	s5 =	sadd.s32 $0x2E00, s8;
	_ =	strace $0x80000047;
	s10 =	ssub.s32 $0x2, s6  }
0x7: {  	s6 =	simm.s32 $0x300;
	s4 =	sadd.s32 s3, s4;
	s3 =	simm.s32 $0x2  }
0x8: {  	[tilespmem:s2], [sflag:$0x2] =	stream.linear.gather [hbm4b:s4+s2], $0x300, $0x38;
	[tilespmem:$0x3300] =	vst v63  }
0x9: {  	s9 =	smul.u32 $0x600, s7;
	s11 =	sshrl.u32 s10, $0x1;
	_ =	swait.ge [sflag:s3], $0x300  }
0xa: {  	s7 =	simm.s32 $0x1;
	s31 =	ssub.s32 s10, s11;
	[sflag:s3] =	ssyncset.done $0x0  }
0xb: {  	s8 =	sadd.s32 s9, s8;
	s9 =	smax.u32 s31, $0x1;
	[sflag:s3] =	ssyncadd.s32 $0xFFFFFD00  }
0xc: {  	[tilespmem:s6], [sflag:$0x1] =	stream.indirect.gather [hbm4b:s5+s6], $0x10, s2, s6, $0xb8;
	[tilespmem:$0x3300] =	vst v63  }
0xd: {  	p0 =	sne.s32 s9, $0x1;
	_ =	swait.ge [sflag:s7], $0x3000  }
.Ltmp0:
0xe: {  	[sflag:s7] =	ssyncset.done $0x0;
	(pc) =	sbr.rel @!p0 .LBB2_2-.Ltmp0, $4  }
0xf: {  	s8 =	sadd.s32 $0x6E00, s8;
	[sflag:s7] =	ssyncadd.s32 $0xFFFFD000  }
0x10: {  	[hbm4b:s8+s2] =	stream.linear.scatter [tilespmem:s6], [sflag:$0x2], $0x3000, $0x38;
	[tilespmem:$0x3300] =	vst v63  }
0x11: {  	_ =	swait.ge [sflag:s3], $0x3000  }
0x12: {  	s9 =	sadd.s32 $0xFFFFFFFF, s9;
	[sflag:s3] =	ssyncset.done $0x0  }
.LBB2_1:
0x13: {  	p0 =	sne.s32 s9, $0x1;
	s9 =	sadd.s32 $0xFFFFFFFF, s9;
	[sflag:s3] =	ssyncadd.s32 $0xFFFFD000  }
0x14: {  	[tilespmem:s2], [sflag:$0x2] =	stream.linear.gather [hbm4b:s4+s2], $0x300, $0x38;
	[tilespmem:$0x3300] =	vst v63  }
0x15: {  	_ =	swait.ge [sflag:s3], $0x300  }
0x16: {  	[sflag:s3] =	ssyncset.done $0x0  }
0x17: {  	[sflag:s3] =	ssyncadd.s32 $0xFFFFFD00  }
0x18: {  	[tilespmem:s6], [sflag:$0x1] =	stream.indirect.gather [hbm4b:s5+s6], $0x10, s2, s6, $0xb8;
	[tilespmem:$0x3300] =	vst v63  }
0x19: {  	_ =	swait.ge [sflag:s7], $0x3000  }
.Ltmp1:
0x1a: {  	[sflag:s7] =	ssyncset.done $0x0;
	(pc) =	sbr.rel @p0 .LBB2_1-.Ltmp1, $4  }
0x1b: {  	[sflag:s7] =	ssyncadd.s32 $0xFFFFD000  }
0x1c: {  	[hbm4b:s8+s2] =	stream.linear.scatter [tilespmem:s6], [sflag:$0x2], $0x3000, $0x38;
	[tilespmem:$0x3300] =	vst v63  }
0x1d: {  	_ =	swait.ge [sflag:s3], $0x3000  }
0x1e: {  	[sflag:s3] =	ssyncset.done $0x0  }
.LBB2_2:
0x1f: {  	[sflag:s3] =	ssyncadd.s32 $0xFFFFD000  }
0x20: {  	_ =	sfence.sel $0x180000  }
0x21: {  	[bflag:$0x0] =	sbarrier.arrive $0xFFFF  }
0x22: {  	p0 =	sne.s32 s0, $0x0;
	_ =	strace $0x90000047  }
0x23: {  	s0 =	sadd.s32 @!p0 $0x100000, s1;
	[bflag:$0x2] =	sbarrier.arrive $0xFFFF  }
0x24: {  	[sflag:s0] =	ssyncadd.tile.s32 @!p0 $0x1;
	_ =	shalt  }
.Lfunc_end2:
_tile_overlayer_lowered:
.L_overlay_start_2:
0x25: {  	(tag) =	ssettag $0x2  }
0x26: {  	s0 =	rddreg [dreg:$0x0];
	s2 =	stileid.u32  }
0x27: {  	s1 =	rddreg [dreg:$0x1];
	p0 =	sne.s32 s2, $0x0  }
0x28: {  	s3 =	rddreg [dreg:$0x2];
	[bflag:$0x3] =	sbarrier.arrive $0xFFFF;
	s2 =	simm.s32 @!p0 $0x1C02  }
0x29: {  	[timem:s3], [sflag:s2] =	dma.local @!p0 [hbm:s0], s1  }
0x2a: {  	s0 =	simm.s32 @!p0 $0x2  }
0x2b: {  	_ =	swait.ge @!p0 [sflag:s0], s1  }
0x2c: {  	s1 =	ssub.s32 @!p0 $0x0, s1;
	[sflag:s0] =	ssyncset.done @!p0 $0x0  }
0x2d: {  	[sflag:s0] =	ssyncadd.s32 @!p0 s1  }
0x2e: {  	[bflag:$0x3] =	sbarrier.arrive $0xFFFF  }
0x2f: {  	_ =	shalt  }

</sc_bundles>
